<compile_context>
chip_gen: v7x
topology: tpu7x:2x2x1
jax: 0.10.2.dev20260603
libtpu: 0.0.44.dev20260713+nightly
codegen_flags: <defaults>
</compile_context>

<pallas_src>
import jax
import jax.numpy as jnp
from jax import lax
from jax.experimental import pallas as pl
from jax.experimental.pallas import tpu as pltpu
from jax.experimental.pallas import tpu_sc as plsc

BATCH = 16384
DIM = 2048
LANES = 16

NUM_CORES = 2
NUM_SUBCORES = 16
NW = NUM_CORES * NUM_SUBCORES

ROWS_PER_W = BATCH // NW
CHUNK_R = 8
CHUNKS = ROWS_PER_W // CHUNK_R
NBUF = 3
NGROUP = CHUNKS // NBUF
JCHUNKS = DIM // LANES


def _body(x_hbm, perm_hbm, out_hbm, ld_hbm, perm_v, zb, *bufs_and_sems):
    ins = list(bufs_and_sems[0:NBUF])
    outs = list(bufs_and_sems[NBUF:2 * NBUF])
    isems = list(bufs_and_sems[2 * NBUF:3 * NBUF])
    osems = list(bufs_and_sems[3 * NBUF:4 * NBUF])

    wid = lax.axis_index("s") * NUM_CORES + lax.axis_index("c")
    base = wid * ROWS_PER_W

    def in_copy(b, ch):
        return pltpu.make_async_copy(
            x_hbm.at[pl.ds(base + ch * CHUNK_R, CHUNK_R)], ins[b], isems[b])

    def out_copy(b, ch):
        return pltpu.make_async_copy(
            outs[b], out_hbm.at[pl.ds(base + ch * CHUNK_R, CHUNK_R)],
            osems[b])

    def gather(in_b, out_b):
        @plsc.parallel_loop(0, JCHUNKS, unroll=4)
        def _(jc):
            pc = perm_v[pl.ds(jc * LANES, LANES)]
            for r in range(CHUNK_R):
                ridx = jnp.full((LANES,), r, dtype=jnp.int32)
                v = plsc.load_gather(in_b, [ridx, pc])
                out_b[r, pl.ds(jc * LANES, LANES)] = v

    pltpu.sync_copy(perm_hbm, perm_v)

    for b in range(NBUF):
        in_copy(b, b).start()

    def zero_body(i, carry):
        zb[pl.ds(i * LANES, LANES)] = jnp.zeros((LANES,), jnp.float32)
        return carry

    lax.fori_loop(0, ROWS_PER_W // LANES, zero_body, 0)
    pltpu.sync_copy(zb, ld_hbm.at[pl.ds(base, ROWS_PER_W)])

    def group_body(g, carry):
        for b in range(NBUF):
            ch = NBUF * g + b
            in_copy(b, ch).wait()

            @pl.when(g > 0)
            def _():
                out_copy(b, ch - NBUF).wait()

            gather(ins[b], outs[b])
            out_copy(b, ch).start()

            @pl.when(ch + NBUF < CHUNKS)
            def _():
                in_copy(b, ch + NBUF).start()

        return carry

    lax.fori_loop(0, NGROUP, group_body, 0)

    for ch in range(NGROUP * NBUF, CHUNKS):
        b = ch % NBUF
        in_copy(b, ch).wait()
        out_copy(b, ch - NBUF).wait()
        gather(ins[b], outs[b])
        out_copy(b, ch).start()

    for ch in range(CHUNKS - NBUF, CHUNKS):
        out_copy(ch % NBUF, ch).wait()


@jax.jit
def _permute(x, perm):
    mesh = plsc.VectorSubcoreMesh(core_axis_name="c", subcore_axis_name="s")
    f = pl.kernel(
        _body,
        out_type=(
            jax.ShapeDtypeStruct((BATCH, DIM), jnp.float32),
            jax.ShapeDtypeStruct((BATCH,), jnp.float32),
        ),
        mesh=mesh,
        scratch_types=(
            [pltpu.VMEM((DIM,), jnp.int32),
             pltpu.VMEM((ROWS_PER_W,), jnp.float32)]
            + [pltpu.VMEM((CHUNK_R, DIM), jnp.float32)] * (2 * NBUF)
            + [pltpu.SemaphoreType.DMA] * (2 * NBUF)
        ),
        compiler_params=pltpu.CompilerParams(
            use_tc_tiling_on_sc=True, needs_layout_passes=False
        ),
    )
    return f(x, perm)


def kernel(x, perm):
    out, logdet = _permute(x, perm.astype(jnp.int32))
    return (out, logdet)

# --- scband reference (transcript-rebuilt; emitter-appended) ---
"""Pipeline reference for scband-permutation-56573309223622 (READ-ONLY COPY).

The authoritative reference and input builder live on the scoring server;
editing this copy changes nothing except your own understanding.
"""

import jax, jax.numpy as jnp
import numpy as np

BATCH = 16384
DIM = 2048

def setup_inputs(seed: int = 0) -> dict:
    key = jax.random.key(seed)
    kx, kp = jax.random.split(key)
    x = jax.random.normal(kx, (BATCH, DIM), dtype=jnp.float32)
    # buffer: fixed random permutation of the feature dimension
    perm = jax.random.permutation(kp, DIM)
    return {"x": x, "perm": perm}

def reference(x, perm):
    # forward (inverse=False): permute columns, log-det = 0
    out = x[:, perm]
    logdet = jnp.zeros(x.shape[0], dtype=x.dtype)
    return (out, logdet)

if __name__ == "__main__":
    import jax
    _d = setup_inputs()
    print(jax.jit(kernel)(*tuple(_d.values())))

</pallas_src>

<mosaic_0001>
#map = affine_map<(d0, d1) -> (0, 0)>
#map1 = affine_map<(d0, d1) -> (0)>
module attributes {stable_mosaic.version = 14 : i64} {
  func.func @_body(%arg0: i32, %arg1: i32, %arg2: memref<16384x2048xf32, #tpu.memory_space<hbm>>, %arg3: memref<2048xi32, #tpu.memory_space<hbm>>, %arg4: memref<16384x2048xf32, #tpu.memory_space<hbm>>, %arg5: memref<16384xf32, #tpu.memory_space<hbm>>, %arg6: memref<2048xi32, #tpu.memory_space<vmem>>, %arg7: memref<512xf32, #tpu.memory_space<vmem>>, %arg8: memref<8x2048xf32, #tpu.memory_space<vmem>>, %arg9: memref<8x2048xf32, #tpu.memory_space<vmem>>, %arg10: memref<8x2048xf32, #tpu.memory_space<vmem>>, %arg11: memref<8x2048xf32, #tpu.memory_space<vmem>>, %arg12: memref<8x2048xf32, #tpu.memory_space<vmem>>, %arg13: memref<8x2048xf32, #tpu.memory_space<vmem>>, %arg14: memref<!tpu.dma_semaphore, #tpu.memory_space<semaphore_mem>>, %arg15: memref<!tpu.dma_semaphore, #tpu.memory_space<semaphore_mem>>, %arg16: memref<!tpu.dma_semaphore, #tpu.memory_space<semaphore_mem>>, %arg17: memref<!tpu.dma_semaphore, #tpu.memory_space<semaphore_mem>>, %arg18: memref<!tpu.dma_semaphore, #tpu.memory_space<semaphore_mem>>, %arg19: memref<!tpu.dma_semaphore, #tpu.memory_space<semaphore_mem>>) attributes {dimension_semantics = [#tpu.dimension_semantics<core_parallel>, #tpu.dimension_semantics<subcore_parallel>], iteration_bounds = array<i64: 2, 16>, scalar_prefetch = 0 : i64, scratch_operands = 14 : i64, tpu.core_type = #tpu.core_type<sc_vector_subcore>, window_params = [{transform_indices = #map}, {transform_indices = #map1}, {transform_indices = #map}, {transform_indices = #map1}]} {
    %mul3A = arith.constant 2 : i32
    %mul3A_0 = arith.muli %arg1, %mul3A : i32
    %add3A = arith.addi %mul3A_0, %arg0 : i32
    %mul3A_1 = arith.constant 512 : i32
    %mul3A_2 = arith.muli %add3A, %mul3A_1 : i32
    "tpu.region"() ({
      %run_scoped3A = tpu.sem_alloc : memref<!tpu.dma_semaphore, #tpu.memory_space<semaphore_mem>>
      tpu.enqueue_dma source(%arg3 : memref<2048xi32, #tpu.memory_space<hbm>>) target(%arg6 : memref<2048xi32, #tpu.memory_space<vmem>>) target_semaphore(%run_scoped3A : memref<!tpu.dma_semaphore, #tpu.memory_space<semaphore_mem>>)
      tpu.wait_dma2 semaphore(%run_scoped3A : memref<!tpu.dma_semaphore, #tpu.memory_space<semaphore_mem>>) src(%arg3 : memref<2048xi32, #tpu.memory_space<hbm>>) dst(%arg6 : memref<2048xi32, #tpu.memory_space<vmem>>)
      tpu.yield
    }) : () -> ()
    %add3A_3 = arith.constant 0 : i32
    %add3A_4 = arith.addi %mul3A_2, %add3A_3 : i32
    %dma_start3A = arith.constant 0 : i32
    %dma_start3A_5 = tpu.memref_slice %arg2[%add3A_4, %dma_start3A] : memref<16384x2048xf32, #tpu.memory_space<hbm>> -> memref<8x2048xf32, #tpu.memory_space<hbm>>
    %dma_start3A_6 = arith.constant 0 : i32
    %dma_start3A_7 = tpu.memref_slice %arg2[%add3A_4, %dma_start3A_6] : memref<16384x2048xf32, #tpu.memory_space<hbm>> -> memref<8x2048xf32, #tpu.memory_space<hbm>>
    tpu.enqueue_dma source(%dma_start3A_7 : memref<8x2048xf32, #tpu.memory_space<hbm>>) target(%arg8 : memref<8x2048xf32, #tpu.memory_space<vmem>>) target_semaphore(%arg14 : memref<!tpu.dma_semaphore, #tpu.memory_space<semaphore_mem>>)
    %add3A_8 = arith.constant 8 : i32
    %add3A_9 = arith.addi %mul3A_2, %add3A_8 : i32
    %dma_start3A_10 = arith.constant 0 : i32
    %dma_start3A_11 = tpu.memref_slice %arg2[%add3A_9, %dma_start3A_10] : memref<16384x2048xf32, #tpu.memory_space<hbm>> -> memref<8x2048xf32, #tpu.memory_space<hbm>>
    %dma_start3A_12 = arith.constant 0 : i32
    %dma_start3A_13 = tpu.memref_slice %arg2[%add3A_9, %dma_start3A_12] : memref<16384x2048xf32, #tpu.memory_space<hbm>> -> memref<8x2048xf32, #tpu.memory_space<hbm>>
    tpu.enqueue_dma source(%dma_start3A_13 : memref<8x2048xf32, #tpu.memory_space<hbm>>) target(%arg9 : memref<8x2048xf32, #tpu.memory_space<vmem>>) target_semaphore(%arg15 : memref<!tpu.dma_semaphore, #tpu.memory_space<semaphore_mem>>)
    %add3A_14 = arith.constant 16 : i32
    %add3A_15 = arith.addi %mul3A_2, %add3A_14 : i32
    %dma_start3A_16 = arith.constant 0 : i32
    %dma_start3A_17 = tpu.memref_slice %arg2[%add3A_15, %dma_start3A_16] : memref<16384x2048xf32, #tpu.memory_space<hbm>> -> memref<8x2048xf32, #tpu.memory_space<hbm>>
    %dma_start3A_18 = arith.constant 0 : i32
    %dma_start3A_19 = tpu.memref_slice %arg2[%add3A_15, %dma_start3A_18] : memref<16384x2048xf32, #tpu.memory_space<hbm>> -> memref<8x2048xf32, #tpu.memory_space<hbm>>
    tpu.enqueue_dma source(%dma_start3A_19 : memref<8x2048xf32, #tpu.memory_space<hbm>>) target(%arg10 : memref<8x2048xf32, #tpu.memory_space<vmem>>) target_semaphore(%arg16 : memref<!tpu.dma_semaphore, #tpu.memory_space<semaphore_mem>>)
    %scan3A = arith.constant 0 : i32
    %scan3A_20 = arith.constant 0 : i32
    %scan3A_21 = arith.constant 32 : i32
    %scan3A_22 = arith.addi %scan3A_20, %scan3A_21 : i32
    %scan3A_23 = arith.constant 1 : i32
    scf.for %scan3A_68 = %scan3A_20 to %scan3A_22 step %scan3A_23  : i32 {
      %broadcast_in_dim3A = arith.constant 0.000000e+00 : f32
      %broadcast_in_dim3A_69 = vector.broadcast %broadcast_in_dim3A : f32 to vector<16xf32>
      %mul3A_70 = arith.constant 16 : i32
      %mul3A_71 = arith.muli %scan3A_68, %mul3A_70 : i32
      %swap3A = arith.index_cast %mul3A_71 : i32 to index
      %swap3A_72 = tpu.vector_load %arg7[%swap3A] {strides = array<i32>} : memref<512xf32, #tpu.memory_space<vmem>>, vector<16xf32>,
      tpu.vector_store %arg7[%swap3A], %broadcast_in_dim3A_69 {strides = array<i32>} : memref<512xf32, #tpu.memory_space<vmem>>, vector<16xf32>,
    }
    %scan3A_24 = arith.constant 32 : i32
    "tpu.region"() ({
      %run_scoped3A = tpu.sem_alloc : memref<!tpu.dma_semaphore, #tpu.memory_space<semaphore_mem>>
      %dma_start3A_68 = tpu.memref_slice %arg5[%mul3A_2] : memref<16384xf32, #tpu.memory_space<hbm>> -> memref<512xf32, #tpu.memory_space<hbm>>
      %dma_start3A_69 = tpu.memref_slice %arg5[%mul3A_2] : memref<16384xf32, #tpu.memory_space<hbm>> -> memref<512xf32, #tpu.memory_space<hbm>>
      tpu.enqueue_dma source(%arg7 : memref<512xf32, #tpu.memory_space<vmem>>) target(%dma_start3A_69 : memref<512xf32, #tpu.memory_space<hbm>>) target_semaphore(%run_scoped3A : memref<!tpu.dma_semaphore, #tpu.memory_space<semaphore_mem>>)
      %dma_wait3A_70 = tpu.memref_slice %arg5[%mul3A_2] : memref<16384xf32, #tpu.memory_space<hbm>> -> memref<512xf32, #tpu.memory_space<hbm>>
      %dma_wait3A_71 = tpu.memref_slice %arg5[%mul3A_2] : memref<16384xf32, #tpu.memory_space<hbm>> -> memref<512xf32, #tpu.memory_space<hbm>>
      tpu.wait_dma2 semaphore(%run_scoped3A : memref<!tpu.dma_semaphore, #tpu.memory_space<semaphore_mem>>) src(%arg7 : memref<512xf32, #tpu.memory_space<vmem>>) dst(%dma_wait3A_71 : memref<512xf32, #tpu.memory_space<hbm>>)
      tpu.yield
    }) : () -> ()
    %scan3A_25 = arith.constant 0 : i32
    %scan3A_26 = arith.constant 0 : i32
    %scan3A_27 = arith.constant 21 : i32
    %scan3A_28 = arith.addi %scan3A_26, %scan3A_27 : i32
    %scan3A_29 = arith.constant 1 : i32
    scf.for %scan3A_68 = %scan3A_26 to %scan3A_28 step %scan3A_29  : i32 {
      %mul3A_69 = arith.constant 3 : i32
      %mul3A_70 = arith.muli %mul3A_69, %scan3A_68 : i32
      %add3A_71 = arith.constant 0 : i32
      %add3A_72 = arith.addi %mul3A_70, %add3A_71 : i32
      %mul3A_73 = arith.constant 8 : i32
      %mul3A_74 = arith.muli %add3A_72, %mul3A_73 : i32
      %add3A_75 = arith.addi %mul3A_2, %mul3A_74 : i32
      %dma_wait3A_76 = arith.constant 0 : i32
      %dma_wait3A_77 = tpu.memref_slice %arg2[%add3A_75, %dma_wait3A_76] : memref<16384x2048xf32, #tpu.memory_space<hbm>> -> memref<8x2048xf32, #tpu.memory_space<hbm>>
      %dma_wait3A_78 = arith.constant 0 : i32
      %dma_wait3A_79 = tpu.memref_slice %arg2[%add3A_75, %dma_wait3A_78] : memref<16384x2048xf32, #tpu.memory_space<hbm>> -> memref<8x2048xf32, #tpu.memory_space<hbm>>
      tpu.wait_dma2 semaphore(%arg14 : memref<!tpu.dma_semaphore, #tpu.memory_space<semaphore_mem>>) src(%dma_wait3A_79 : memref<8x2048xf32, #tpu.memory_space<hbm>>) dst(%arg8 : memref<8x2048xf32, #tpu.memory_space<vmem>>)
      %gt3A = arith.constant 0 : i32
      %gt3A_80 = arith.cmpi sgt, %scan3A_68, %gt3A : i32
      %convert_element_type3A = arith.extui %gt3A_80 : i1 to i32
      %cond3A = arith.constant 0 : i32
      %cond3A_81 = arith.cmpi ne, %convert_element_type3A, %cond3A : i32
      scf.if %cond3A_81 {
        %sub3A = arith.constant 3 : i32
        %sub3A_164 = arith.subi %add3A_72, %sub3A : i32
        %mul3A_165 = arith.constant 8 : i32
        %mul3A_166 = arith.muli %sub3A_164, %mul3A_165 : i32
        %add3A_167 = arith.addi %mul3A_2, %mul3A_166 : i32
        %dma_wait3A_168 = arith.constant 0 : i32
        %dma_wait3A_169 = tpu.memref_slice %arg4[%add3A_167, %dma_wait3A_168] : memref<16384x2048xf32, #tpu.memory_space<hbm>> -> memref<8x2048xf32, #tpu.memory_space<hbm>>
        %dma_wait3A_170 = arith.constant 0 : i32
        %dma_wait3A_171 = tpu.memref_slice %arg4[%add3A_167, %dma_wait3A_170] : memref<16384x2048xf32, #tpu.memory_space<hbm>> -> memref<8x2048xf32, #tpu.memory_space<hbm>>
        tpu.wait_dma2 semaphore(%arg17 : memref<!tpu.dma_semaphore, #tpu.memory_space<semaphore_mem>>) src(%arg11 : memref<8x2048xf32, #tpu.memory_space<vmem>>) dst(%dma_wait3A_171 : memref<8x2048xf32, #tpu.memory_space<hbm>>)
      } else {
      }
      %parallel_loop3A_82 = arith.constant 0 : i32
      %parallel_loop3A_83 = arith.constant 128 : i32
      %parallel_loop3A_84 = arith.constant 1 : i32
      scf.for %parallel_loop3A_164 = %parallel_loop3A_82 to %parallel_loop3A_83 step %parallel_loop3A_84  : i32 {
        %parallel_loop3A_165 = arith.constant 16 : i32
        %parallel_loop3A_166 = arith.muli %parallel_loop3A_164, %parallel_loop3A_165 : i32
        %parallel_loop3A_167 = arith.index_cast %parallel_loop3A_166 : i32 to index
        %parallel_loop3A_168 = tpu.vector_load %arg6[%parallel_loop3A_167] {strides = array<i32>} : memref<2048xi32, #tpu.memory_space<vmem>>, vector<16xi32>,
        %parallel_loop3A_169 = arith.constant 0 : i32
        %parallel_loop3A_170 = vector.broadcast %parallel_loop3A_169 : i32 to vector<16xi32>
        %parallel_loop3A_171 = tpu.vector_load_idx %arg8[%parallel_loop3A_170, %parallel_loop3A_168] : memref<8x2048xf32, #tpu.memory_space<vmem>>[vector<16xi32>, vector<16xi32>], vector<16xf32>,
        %parallel_loop3A_172 = arith.constant 16 : i32
        %parallel_loop3A_173 = arith.muli %parallel_loop3A_164, %parallel_loop3A_172 : i32
        %parallel_loop3A_174 = arith.constant 0 : i32
        %parallel_loop3A_175 = arith.index_cast %parallel_loop3A_174 : i32 to index
        %parallel_loop3A_176 = arith.index_cast %parallel_loop3A_173 : i32 to index
        %parallel_loop3A_177 = tpu.vector_load %arg11[%parallel_loop3A_175, %parallel_loop3A_176] {strides = array<i32>} : memref<8x2048xf32, #tpu.memory_space<vmem>>, vector<16xf32>,
        tpu.vector_store %arg11[%parallel_loop3A_175, %parallel_loop3A_176], %parallel_loop3A_171 {strides = array<i32>} : memref<8x2048xf32, #tpu.memory_space<vmem>>, vector<16xf32>,
        %parallel_loop3A_178 = arith.constant 1 : i32
        %parallel_loop3A_179 = vector.broadcast %parallel_loop3A_178 : i32 to vector<16xi32>
        %parallel_loop3A_180 = tpu.vector_load_idx %arg8[%parallel_loop3A_179, %parallel_loop3A_168] : memref<8x2048xf32, #tpu.memory_space<vmem>>[vector<16xi32>, vector<16xi32>], vector<16xf32>,
        %parallel_loop3A_181 = arith.constant 16 : i32
        %parallel_loop3A_182 = arith.muli %parallel_loop3A_164, %parallel_loop3A_181 : i32
        %parallel_loop3A_183 = arith.constant 1 : i32
        %parallel_loop3A_184 = arith.index_cast %parallel_loop3A_183 : i32 to index
        %parallel_loop3A_185 = arith.index_cast %parallel_loop3A_182 : i32 to index
        %parallel_loop3A_186 = tpu.vector_load %arg11[%parallel_loop3A_184, %parallel_loop3A_185] {strides = array<i32>} : memref<8x2048xf32, #tpu.memory_space<vmem>>, vector<16xf32>,
        tpu.vector_store %arg11[%parallel_loop3A_184, %parallel_loop3A_185], %parallel_loop3A_180 {strides = array<i32>} : memref<8x2048xf32, #tpu.memory_space<vmem>>, vector<16xf32>,
        %parallel_loop3A_187 = arith.constant 2 : i32
        %parallel_loop3A_188 = vector.broadcast %parallel_loop3A_187 : i32 to vector<16xi32>
        %parallel_loop3A_189 = tpu.vector_load_idx %arg8[%parallel_loop3A_188, %parallel_loop3A_168] : memref<8x2048xf32, #tpu.memory_space<vmem>>[vector<16xi32>, vector<16xi32>], vector<16xf32>,
        %parallel_loop3A_190 = arith.constant 16 : i32
        %parallel_loop3A_191 = arith.muli %parallel_loop3A_164, %parallel_loop3A_190 : i32
        %parallel_loop3A_192 = arith.constant 2 : i32
        %parallel_loop3A_193 = arith.index_cast %parallel_loop3A_192 : i32 to index
        %parallel_loop3A_194 = arith.index_cast %parallel_loop3A_191 : i32 to index
        %parallel_loop3A_195 = tpu.vector_load %arg11[%parallel_loop3A_193, %parallel_loop3A_194] {strides = array<i32>} : memref<8x2048xf32, #tpu.memory_space<vmem>>, vector<16xf32>,
        tpu.vector_store %arg11[%parallel_loop3A_193, %parallel_loop3A_194], %parallel_loop3A_189 {strides = array<i32>} : memref<8x2048xf32, #tpu.memory_space<vmem>>, vector<16xf32>,
        %parallel_loop3A_196 = arith.constant 3 : i32
        %parallel_loop3A_197 = vector.broadcast %parallel_loop3A_196 : i32 to vector<16xi32>
        %parallel_loop3A_198 = tpu.vector_load_idx %arg8[%parallel_loop3A_197, %parallel_loop3A_168] : memref<8x2048xf32, #tpu.memory_space<vmem>>[vector<16xi32>, vector<16xi32>], vector<16xf32>,
        %parallel_loop3A_199 = arith.constant 16 : i32
        %parallel_loop3A_200 = arith.muli %parallel_loop3A_164, %parallel_loop3A_199 : i32
        %parallel_loop3A_201 = arith.constant 3 : i32
        %parallel_loop3A_202 = arith.index_cast %parallel_loop3A_201 : i32 to index
        %parallel_loop3A_203 = arith.index_cast %parallel_loop3A_200 : i32 to index
        %parallel_loop3A_204 = tpu.vector_load %arg11[%parallel_loop3A_202, %parallel_loop3A_203] {strides = array<i32>} : memref<8x2048xf32, #tpu.memory_space<vmem>>, vector<16xf32>,
        tpu.vector_store %arg11[%parallel_loop3A_202, %parallel_loop3A_203], %parallel_loop3A_198 {strides = array<i32>} : memref<8x2048xf32, #tpu.memory_space<vmem>>, vector<16xf32>,
        %parallel_loop3A_205 = arith.constant 4 : i32
        %parallel_loop3A_206 = vector.broadcast %parallel_loop3A_205 : i32 to vector<16xi32>
        %parallel_loop3A_207 = tpu.vector_load_idx %arg8[%parallel_loop3A_206, %parallel_loop3A_168] : memref<8x2048xf32, #tpu.memory_space<vmem>>[vector<16xi32>, vector<16xi32>], vector<16xf32>,
        %parallel_loop3A_208 = arith.constant 16 : i32
        %parallel_loop3A_209 = arith.muli %parallel_loop3A_164, %parallel_loop3A_208 : i32
        %parallel_loop3A_210 = arith.constant 4 : i32
        %parallel_loop3A_211 = arith.index_cast %parallel_loop3A_210 : i32 to index
        %parallel_loop3A_212 = arith.index_cast %parallel_loop3A_209 : i32 to index
        %parallel_loop3A_213 = tpu.vector_load %arg11[%parallel_loop3A_211, %parallel_loop3A_212] {strides = array<i32>} : memref<8x2048xf32, #tpu.memory_space<vmem>>, vector<16xf32>,
        tpu.vector_store %arg11[%parallel_loop3A_211, %parallel_loop3A_212], %parallel_loop3A_207 {strides = array<i32>} : memref<8x2048xf32, #tpu.memory_space<vmem>>, vector<16xf32>,
        %parallel_loop3A_214 = arith.constant 5 : i32
        %parallel_loop3A_215 = vector.broadcast %parallel_loop3A_214 : i32 to vector<16xi32>
        %parallel_loop3A_216 = tpu.vector_load_idx %arg8[%parallel_loop3A_215, %parallel_loop3A_168] : memref<8x2048xf32, #tpu.memory_space<vmem>>[vector<16xi32>, vector<16xi32>], vector<16xf32>,
        %parallel_loop3A_217 = arith.constant 16 : i32
        %parallel_loop3A_218 = arith.muli %parallel_loop3A_164, %parallel_loop3A_217 : i32
        %parallel_loop3A_219 = arith.constant 5 : i32
        %parallel_loop3A_220 = arith.index_cast %parallel_loop3A_219 : i32 to index
        %parallel_loop3A_221 = arith.index_cast %parallel_loop3A_218 : i32 to index
        %parallel_loop3A_222 = tpu.vector_load %arg11[%parallel_loop3A_220, %parallel_loop3A_221] {strides = array<i32>} : memref<8x2048xf32, #tpu.memory_space<vmem>>, vector<16xf32>,
        tpu.vector_store %arg11[%parallel_loop3A_220, %parallel_loop3A_221], %parallel_loop3A_216 {strides = array<i32>} : memref<8x2048xf32, #tpu.memory_space<vmem>>, vector<16xf32>,
        %parallel_loop3A_223 = arith.constant 6 : i32
        %parallel_loop3A_224 = vector.broadcast %parallel_loop3A_223 : i32 to vector<16xi32>
        %parallel_loop3A_225 = tpu.vector_load_idx %arg8[%parallel_loop3A_224, %parallel_loop3A_168] : memref<8x2048xf32, #tpu.memory_space<vmem>>[vector<16xi32>, vector<16xi32>], vector<16xf32>,
        %parallel_loop3A_226 = arith.constant 16 : i32
        %parallel_loop3A_227 = arith.muli %parallel_loop3A_164, %parallel_loop3A_226 : i32
        %parallel_loop3A_228 = arith.constant 6 : i32
        %parallel_loop3A_229 = arith.index_cast %parallel_loop3A_228 : i32 to index
        %parallel_loop3A_230 = arith.index_cast %parallel_loop3A_227 : i32 to index
        %parallel_loop3A_231 = tpu.vector_load %arg11[%parallel_loop3A_229, %parallel_loop3A_230] {strides = array<i32>} : memref<8x2048xf32, #tpu.memory_space<vmem>>, vector<16xf32>,
        tpu.vector_store %arg11[%parallel_loop3A_229, %parallel_loop3A_230], %parallel_loop3A_225 {strides = array<i32>} : memref<8x2048xf32, #tpu.memory_space<vmem>>, vector<16xf32>,
        %parallel_loop3A_232 = arith.constant 7 : i32
        %parallel_loop3A_233 = vector.broadcast %parallel_loop3A_232 : i32 to vector<16xi32>
        %parallel_loop3A_234 = tpu.vector_load_idx %arg8[%parallel_loop3A_233, %parallel_loop3A_168] : memref<8x2048xf32, #tpu.memory_space<vmem>>[vector<16xi32>, vector<16xi32>], vector<16xf32>,
        %parallel_loop3A_235 = arith.constant 16 : i32
        %parallel_loop3A_236 = arith.muli %parallel_loop3A_164, %parallel_loop3A_235 : i32
        %parallel_loop3A_237 = arith.constant 7 : i32
        %parallel_loop3A_238 = arith.index_cast %parallel_loop3A_237 : i32 to index
        %parallel_loop3A_239 = arith.index_cast %parallel_loop3A_236 : i32 to index
        %parallel_loop3A_240 = tpu.vector_load %arg11[%parallel_loop3A_238, %parallel_loop3A_239] {strides = array<i32>} : memref<8x2048xf32, #tpu.memory_space<vmem>>, vector<16xf32>,
        tpu.vector_store %arg11[%parallel_loop3A_238, %parallel_loop3A_239], %parallel_loop3A_234 {strides = array<i32>} : memref<8x2048xf32, #tpu.memory_space<vmem>>, vector<16xf32>,
      } {sc.loop_unroll_factor = 4 : i64, sc.parallel_access}
      %mul3A_85 = arith.constant 8 : i32
      %mul3A_86 = arith.muli %add3A_72, %mul3A_85 : i32
      %add3A_87 = arith.addi %mul3A_2, %mul3A_86 : i32
      %dma_start3A_88 = arith.constant 0 : i32
      %dma_start3A_89 = tpu.memref_slice %arg4[%add3A_87, %dma_start3A_88] : memref<16384x2048xf32, #tpu.memory_space<hbm>> -> memref<8x2048xf32, #tpu.memory_space<hbm>>
      %dma_start3A_90 = arith.constant 0 : i32
      %dma_start3A_91 = tpu.memref_slice %arg4[%add3A_87, %dma_start3A_90] : memref<16384x2048xf32, #tpu.memory_space<hbm>> -> memref<8x2048xf32, #tpu.memory_space<hbm>>
      tpu.enqueue_dma source(%arg11 : memref<8x2048xf32, #tpu.memory_space<vmem>>) target(%dma_start3A_91 : memref<8x2048xf32, #tpu.memory_space<hbm>>) target_semaphore(%arg17 : memref<!tpu.dma_semaphore, #tpu.memory_space<semaphore_mem>>)
      %add3A_92 = arith.constant 3 : i32
      %add3A_93 = arith.addi %add3A_72, %add3A_92 : i32
      %lt3A = arith.constant 64 : i32
      %lt3A_94 = arith.cmpi slt, %add3A_93, %lt3A : i32
      %convert_element_type3A_95 = arith.extui %lt3A_94 : i1 to i32
      %cond3A_96 = arith.constant 0 : i32
      %cond3A_97 = arith.cmpi ne, %convert_element_type3A_95, %cond3A_96 : i32
      scf.if %cond3A_97 {
        %add3A_164 = arith.constant 3 : i32
        %add3A_165 = arith.addi %add3A_72, %add3A_164 : i32
        %mul3A_166 = arith.constant 8 : i32
        %mul3A_167 = arith.muli %add3A_165, %mul3A_166 : i32
        %add3A_168 = arith.addi %mul3A_2, %mul3A_167 : i32
        %dma_start3A_169 = arith.constant 0 : i32
        %dma_start3A_170 = tpu.memref_slice %arg2[%add3A_168, %dma_start3A_169] : memref<16384x2048xf32, #tpu.memory_space<hbm>> -> memref<8x2048xf32, #tpu.memory_space<hbm>>
        %dma_start3A_171 = arith.constant 0 : i32
        %dma_start3A_172 = tpu.memref_slice %arg2[%add3A_168, %dma_start3A_171] : memref<16384x2048xf32, #tpu.memory_space<hbm>> -> memref<8x2048xf32, #tpu.memory_space<hbm>>
        tpu.enqueue_dma source(%dma_start3A_172 : memref<8x2048xf32, #tpu.memory_space<hbm>>) target(%arg8 : memref<8x2048xf32, #tpu.memory_space<vmem>>) target_semaphore(%arg14 : memref<!tpu.dma_semaphore, #tpu.memory_space<semaphore_mem>>)
      } else {
      }
      %mul3A_98 = arith.constant 3 : i32
      %mul3A_99 = arith.muli %mul3A_98, %scan3A_68 : i32
      %add3A_100 = arith.constant 1 : i32
      %add3A_101 = arith.addi %mul3A_99, %add3A_100 : i32
      %mul3A_102 = arith.constant 8 : i32
      %mul3A_103 = arith.muli %add3A_101, %mul3A_102 : i32
      %add3A_104 = arith.addi %mul3A_2, %mul3A_103 : i32
      %dma_wait3A_105 = arith.constant 0 : i32
      %dma_wait3A_106 = tpu.memref_slice %arg2[%add3A_104, %dma_wait3A_105] : memref<16384x2048xf32, #tpu.memory_space<hbm>> -> memref<8x2048xf32, #tpu.memory_space<hbm>>
      %dma_wait3A_107 = arith.constant 0 : i32
      %dma_wait3A_108 = tpu.memref_slice %arg2[%add3A_104, %dma_wait3A_107] : memref<16384x2048xf32, #tpu.memory_space<hbm>> -> memref<8x2048xf32, #tpu.memory_space<hbm>>
      tpu.wait_dma2 semaphore(%arg15 : memref<!tpu.dma_semaphore, #tpu.memory_space<semaphore_mem>>) src(%dma_wait3A_108 : memref<8x2048xf32, #tpu.memory_space<hbm>>) dst(%arg9 : memref<8x2048xf32, #tpu.memory_space<vmem>>)
      %gt3A_109 = arith.constant 0 : i32
      %gt3A_110 = arith.cmpi sgt, %scan3A_68, %gt3A_109 : i32
      %convert_element_type3A_111 = arith.extui %gt3A_110 : i1 to i32
      %cond3A_112 = arith.constant 0 : i32
      %cond3A_113 = arith.cmpi ne, %convert_element_type3A_111, %cond3A_112 : i32
      scf.if %cond3A_113 {
        %sub3A = arith.constant 3 : i32
        %sub3A_164 = arith.subi %add3A_101, %sub3A : i32
        %mul3A_165 = arith.constant 8 : i32
        %mul3A_166 = arith.muli %sub3A_164, %mul3A_165 : i32
        %add3A_167 = arith.addi %mul3A_2, %mul3A_166 : i32
        %dma_wait3A_168 = arith.constant 0 : i32
        %dma_wait3A_169 = tpu.memref_slice %arg4[%add3A_167, %dma_wait3A_168] : memref<16384x2048xf32, #tpu.memory_space<hbm>> -> memref<8x2048xf32, #tpu.memory_space<hbm>>
        %dma_wait3A_170 = arith.constant 0 : i32
        %dma_wait3A_171 = tpu.memref_slice %arg4[%add3A_167, %dma_wait3A_170] : memref<16384x2048xf32, #tpu.memory_space<hbm>> -> memref<8x2048xf32, #tpu.memory_space<hbm>>
        tpu.wait_dma2 semaphore(%arg18 : memref<!tpu.dma_semaphore, #tpu.memory_space<semaphore_mem>>) src(%arg12 : memref<8x2048xf32, #tpu.memory_space<vmem>>) dst(%dma_wait3A_171 : memref<8x2048xf32, #tpu.memory_space<hbm>>)
      } else {
      }
      %parallel_loop3A_114 = arith.constant 0 : i32
      %parallel_loop3A_115 = arith.constant 128 : i32
      %parallel_loop3A_116 = arith.constant 1 : i32
      scf.for %parallel_loop3A_164 = %parallel_loop3A_114 to %parallel_loop3A_115 step %parallel_loop3A_116  : i32 {
        %parallel_loop3A_165 = arith.constant 16 : i32
        %parallel_loop3A_166 = arith.muli %parallel_loop3A_164, %parallel_loop3A_165 : i32
        %parallel_loop3A_167 = arith.index_cast %parallel_loop3A_166 : i32 to index
        %parallel_loop3A_168 = tpu.vector_load %arg6[%parallel_loop3A_167] {strides = array<i32>} : memref<2048xi32, #tpu.memory_space<vmem>>, vector<16xi32>,
        %parallel_loop3A_169 = arith.constant 0 : i32
        %parallel_loop3A_170 = vector.broadcast %parallel_loop3A_169 : i32 to vector<16xi32>
        %parallel_loop3A_171 = tpu.vector_load_idx %arg9[%parallel_loop3A_170, %parallel_loop3A_168] : memref<8x2048xf32, #tpu.memory_space<vmem>>[vector<16xi32>, vector<16xi32>], vector<16xf32>,
        %parallel_loop3A_172 = arith.constant 16 : i32
        %parallel_loop3A_173 = arith.muli %parallel_loop3A_164, %parallel_loop3A_172 : i32
        %parallel_loop3A_174 = arith.constant 0 : i32
        %parallel_loop3A_175 = arith.index_cast %parallel_loop3A_174 : i32 to index
        %parallel_loop3A_176 = arith.index_cast %parallel_loop3A_173 : i32 to index
        %parallel_loop3A_177 = tpu.vector_load %arg12[%parallel_loop3A_175, %parallel_loop3A_176] {strides = array<i32>} : memref<8x2048xf32, #tpu.memory_space<vmem>>, vector<16xf32>,
        tpu.vector_store %arg12[%parallel_loop3A_175, %parallel_loop3A_176], %parallel_loop3A_171 {strides = array<i32>} : memref<8x2048xf32, #tpu.memory_space<vmem>>, vector<16xf32>,
        %parallel_loop3A_178 = arith.constant 1 : i32
        %parallel_loop3A_179 = vector.broadcast %parallel_loop3A_178 : i32 to vector<16xi32>
        %parallel_loop3A_180 = tpu.vector_load_idx %arg9[%parallel_loop3A_179, %parallel_loop3A_168] : memref<8x2048xf32, #tpu.memory_space<vmem>>[vector<16xi32>, vector<16xi32>], vector<16xf32>,
        %parallel_loop3A_181 = arith.constant 16 : i32
        %parallel_loop3A_182 = arith.muli %parallel_loop3A_164, %parallel_loop3A_181 : i32
        %parallel_loop3A_183 = arith.constant 1 : i32
        %parallel_loop3A_184 = arith.index_cast %parallel_loop3A_183 : i32 to index
        %parallel_loop3A_185 = arith.index_cast %parallel_loop3A_182 : i32 to index
        %parallel_loop3A_186 = tpu.vector_load %arg12[%parallel_loop3A_184, %parallel_loop3A_185] {strides = array<i32>} : memref<8x2048xf32, #tpu.memory_space<vmem>>, vector<16xf32>,
        tpu.vector_store %arg12[%parallel_loop3A_184, %parallel_loop3A_185], %parallel_loop3A_180 {strides = array<i32>} : memref<8x2048xf32, #tpu.memory_space<vmem>>, vector<16xf32>,
        %parallel_loop3A_187 = arith.constant 2 : i32
        %parallel_loop3A_188 = vector.broadcast %parallel_loop3A_187 : i32 to vector<16xi32>
        %parallel_loop3A_189 = tpu.vector_load_idx %arg9[%parallel_loop3A_188, %parallel_loop3A_168] : memref<8x2048xf32, #tpu.memory_space<vmem>>[vector<16xi32>, vector<16xi32>], vector<16xf32>,
        %parallel_loop3A_190 = arith.constant 16 : i32
        %parallel_loop3A_191 = arith.muli %parallel_loop3A_164, %parallel_loop3A_190 : i32
        %parallel_loop3A_192 = arith.constant 2 : i32
        %parallel_loop3A_193 = arith.index_cast %parallel_loop3A_192 : i32 to index
        %parallel_loop3A_194 = arith.index_cast %parallel_loop3A_191 : i32 to index
        %parallel_loop3A_195 = tpu.vector_load %arg12[%parallel_loop3A_193, %parallel_loop3A_194] {strides = array<i32>} : memref<8x2048xf32, #tpu.memory_space<vmem>>, vector<16xf32>,
        tpu.vector_store %arg12[%parallel_loop3A_193, %parallel_loop3A_194], %parallel_loop3A_189 {strides = array<i32>} : memref<8x2048xf32, #tpu.memory_space<vmem>>, vector<16xf32>,
        %parallel_loop3A_196 = arith.constant 3 : i32
        %parallel_loop3A_197 = vector.broadcast %parallel_loop3A_196 : i32 to vector<16xi32>
        %parallel_loop3A_198 = tpu.vector_load_idx %arg9[%parallel_loop3A_197, %parallel_loop3A_168] : memref<8x2048xf32, #tpu.memory_space<vmem>>[vector<16xi32>, vector<16xi32>], vector<16xf32>,
        %parallel_loop3A_199 = arith.constant 16 : i32
        %parallel_loop3A_200 = arith.muli %parallel_loop3A_164, %parallel_loop3A_199 : i32
        %parallel_loop3A_201 = arith.constant 3 : i32
        %parallel_loop3A_202 = arith.index_cast %parallel_loop3A_201 : i32 to index
        %parallel_loop3A_203 = arith.index_cast %parallel_loop3A_200 : i32 to index
        %parallel_loop3A_204 = tpu.vector_load %arg12[%parallel_loop3A_202, %parallel_loop3A_203] {strides = array<i32>} : memref<8x2048xf32, #tpu.memory_space<vmem>>, vector<16xf32>,
        tpu.vector_store %arg12[%parallel_loop3A_202, %parallel_loop3A_203], %parallel_loop3A_198 {strides = array<i32>} : memref<8x2048xf32, #tpu.memory_space<vmem>>, vector<16xf32>,
        %parallel_loop3A_205 = arith.constant 4 : i32
        %parallel_loop3A_206 = vector.broadcast %parallel_loop3A_205 : i32 to vector<16xi32>
        %parallel_loop3A_207 = tpu.vector_load_idx %arg9[%parallel_loop3A_206, %parallel_loop3A_168] : memref<8x2048xf32, #tpu.memory_space<vmem>>[vector<16xi32>, vector<16xi32>], vector<16xf32>,
        %parallel_loop3A_208 = arith.constant 16 : i32
        %parallel_loop3A_209 = arith.muli %parallel_loop3A_164, %parallel_loop3A_208 : i32
        %parallel_loop3A_210 = arith.constant 4 : i32
        %parallel_loop3A_211 = arith.index_cast %parallel_loop3A_210 : i32 to index
        %parallel_loop3A_212 = arith.index_cast %parallel_loop3A_209 : i32 to index
        %parallel_loop3A_213 = tpu.vector_load %arg12[%parallel_loop3A_211, %parallel_loop3A_212] {strides = array<i32>} : memref<8x2048xf32, #tpu.memory_space<vmem>>, vector<16xf32>,
        tpu.vector_store %arg12[%parallel_loop3A_211, %parallel_loop3A_212], %parallel_loop3A_207 {strides = array<i32>} : memref<8x2048xf32, #tpu.memory_space<vmem>>, vector<16xf32>,
        %parallel_loop3A_214 = arith.constant 5 : i32
        %parallel_loop3A_215 = vector.broadcast %parallel_loop3A_214 : i32 to vector<16xi32>
        %parallel_loop3A_216 = tpu.vector_load_idx %arg9[%parallel_loop3A_215, %parallel_loop3A_168] : memref<8x2048xf32, #tpu.memory_space<vmem>>[vector<16xi32>, vector<16xi32>], vector<16xf32>,
        %parallel_loop3A_217 = arith.constant 16 : i32
        %parallel_loop3A_218 = arith.muli %parallel_loop3A_164, %parallel_loop3A_217 : i32
        %parallel_loop3A_219 = arith.constant 5 : i32
        %parallel_loop3A_220 = arith.index_cast %parallel_loop3A_219 : i32 to index
        %parallel_loop3A_221 = arith.index_cast %parallel_loop3A_218 : i32 to index
        %parallel_loop3A_222 = tpu.vector_load %arg12[%parallel_loop3A_220, %parallel_loop3A_221] {strides = array<i32>} : memref<8x2048xf32, #tpu.memory_space<vmem>>, vector<16xf32>,
        tpu.vector_store %arg12[%parallel_loop3A_220, %parallel_loop3A_221], %parallel_loop3A_216 {strides = array<i32>} : memref<8x2048xf32, #tpu.memory_space<vmem>>, vector<16xf32>,
        %parallel_loop3A_223 = arith.constant 6 : i32
        %parallel_loop3A_224 = vector.broadcast %parallel_loop3A_223 : i32 to vector<16xi32>
        %parallel_loop3A_225 = tpu.vector_load_idx %arg9[%parallel_loop3A_224, %parallel_loop3A_168] : memref<8x2048xf32, #tpu.memory_space<vmem>>[vector<16xi32>, vector<16xi32>], vector<16xf32>,
        %parallel_loop3A_226 = arith.constant 16 : i32
        %parallel_loop3A_227 = arith.muli %parallel_loop3A_164, %parallel_loop3A_226 : i32
        %parallel_loop3A_228 = arith.constant 6 : i32
        %parallel_loop3A_229 = arith.index_cast %parallel_loop3A_228 : i32 to index
        %parallel_loop3A_230 = arith.index_cast %parallel_loop3A_227 : i32 to index
        %parallel_loop3A_231 = tpu.vector_load %arg12[%parallel_loop3A_229, %parallel_loop3A_230] {strides = array<i32>} : memref<8x2048xf32, #tpu.memory_space<vmem>>, vector<16xf32>,
        tpu.vector_store %arg12[%parallel_loop3A_229, %parallel_loop3A_230], %parallel_loop3A_225 {strides = array<i32>} : memref<8x2048xf32, #tpu.memory_space<vmem>>, vector<16xf32>,
        %parallel_loop3A_232 = arith.constant 7 : i32
        %parallel_loop3A_233 = vector.broadcast %parallel_loop3A_232 : i32 to vector<16xi32>
        %parallel_loop3A_234 = tpu.vector_load_idx %arg9[%parallel_loop3A_233, %parallel_loop3A_168] : memref<8x2048xf32, #tpu.memory_space<vmem>>[vector<16xi32>, vector<16xi32>], vector<16xf32>,
        %parallel_loop3A_235 = arith.constant 16 : i32
        %parallel_loop3A_236 = arith.muli %parallel_loop3A_164, %parallel_loop3A_235 : i32
        %parallel_loop3A_237 = arith.constant 7 : i32
        %parallel_loop3A_238 = arith.index_cast %parallel_loop3A_237 : i32 to index
        %parallel_loop3A_239 = arith.index_cast %parallel_loop3A_236 : i32 to index
        %parallel_loop3A_240 = tpu.vector_load %arg12[%parallel_loop3A_238, %parallel_loop3A_239] {strides = array<i32>} : memref<8x2048xf32, #tpu.memory_space<vmem>>, vector<16xf32>,
        tpu.vector_store %arg12[%parallel_loop3A_238, %parallel_loop3A_239], %parallel_loop3A_234 {strides = array<i32>} : memref<8x2048xf32, #tpu.memory_space<vmem>>, vector<16xf32>,
      } {sc.loop_unroll_factor = 4 : i64, sc.parallel_access}
      %mul3A_117 = arith.constant 8 : i32
      %mul3A_118 = arith.muli %add3A_101, %mul3A_117 : i32
      %add3A_119 = arith.addi %mul3A_2, %mul3A_118 : i32
      %dma_start3A_120 = arith.constant 0 : i32
      %dma_start3A_121 = tpu.memref_slice %arg4[%add3A_119, %dma_start3A_120] : memref<16384x2048xf32, #tpu.memory_space<hbm>> -> memref<8x2048xf32, #tpu.memory_space<hbm>>
      %dma_start3A_122 = arith.constant 0 : i32
      %dma_start3A_123 = tpu.memref_slice %arg4[%add3A_119, %dma_start3A_122] : memref<16384x2048xf32, #tpu.memory_space<hbm>> -> memref<8x2048xf32, #tpu.memory_space<hbm>>
      tpu.enqueue_dma source(%arg12 : memref<8x2048xf32, #tpu.memory_space<vmem>>) target(%dma_start3A_123 : memref<8x2048xf32, #tpu.memory_space<hbm>>) target_semaphore(%arg18 : memref<!tpu.dma_semaphore, #tpu.memory_space<semaphore_mem>>)
      %add3A_124 = arith.constant 3 : i32
      %add3A_125 = arith.addi %add3A_101, %add3A_124 : i32
      %lt3A_126 = arith.constant 64 : i32
      %lt3A_127 = arith.cmpi slt, %add3A_125, %lt3A_126 : i32
      %convert_element_type3A_128 = arith.extui %lt3A_127 : i1 to i32
      %cond3A_129 = arith.constant 0 : i32
      %cond3A_130 = arith.cmpi ne, %convert_element_type3A_128, %cond3A_129 : i32
      scf.if %cond3A_130 {
        %add3A_164 = arith.constant 3 : i32
        %add3A_165 = arith.addi %add3A_101, %add3A_164 : i32
        %mul3A_166 = arith.constant 8 : i32
        %mul3A_167 = arith.muli %add3A_165, %mul3A_166 : i32
        %add3A_168 = arith.addi %mul3A_2, %mul3A_167 : i32
        %dma_start3A_169 = arith.constant 0 : i32
        %dma_start3A_170 = tpu.memref_slice %arg2[%add3A_168, %dma_start3A_169] : memref<16384x2048xf32, #tpu.memory_space<hbm>> -> memref<8x2048xf32, #tpu.memory_space<hbm>>
        %dma_start3A_171 = arith.constant 0 : i32
        %dma_start3A_172 = tpu.memref_slice %arg2[%add3A_168, %dma_start3A_171] : memref<16384x2048xf32, #tpu.memory_space<hbm>> -> memref<8x2048xf32, #tpu.memory_space<hbm>>
        tpu.enqueue_dma source(%dma_start3A_172 : memref<8x2048xf32, #tpu.memory_space<hbm>>) target(%arg9 : memref<8x2048xf32, #tpu.memory_space<vmem>>) target_semaphore(%arg15 : memref<!tpu.dma_semaphore, #tpu.memory_space<semaphore_mem>>)
      } else {
      }
      %mul3A_131 = arith.constant 3 : i32
      %mul3A_132 = arith.muli %mul3A_131, %scan3A_68 : i32
      %add3A_133 = arith.constant 2 : i32
      %add3A_134 = arith.addi %mul3A_132, %add3A_133 : i32
      %mul3A_135 = arith.constant 8 : i32
      %mul3A_136 = arith.muli %add3A_134, %mul3A_135 : i32
      %add3A_137 = arith.addi %mul3A_2, %mul3A_136 : i32
      %dma_wait3A_138 = arith.constant 0 : i32
      %dma_wait3A_139 = tpu.memref_slice %arg2[%add3A_137, %dma_wait3A_138] : memref<16384x2048xf32, #tpu.memory_space<hbm>> -> memref<8x2048xf32, #tpu.memory_space<hbm>>
      %dma_wait3A_140 = arith.constant 0 : i32
      %dma_wait3A_141 = tpu.memref_slice %arg2[%add3A_137, %dma_wait3A_140] : memref<16384x2048xf32, #tpu.memory_space<hbm>> -> memref<8x2048xf32, #tpu.memory_space<hbm>>
      tpu.wait_dma2 semaphore(%arg16 : memref<!tpu.dma_semaphore, #tpu.memory_space<semaphore_mem>>) src(%dma_wait3A_141 : memref<8x2048xf32, #tpu.memory_space<hbm>>) dst(%arg10 : memref<8x2048xf32, #tpu.memory_space<vmem>>)
      %gt3A_142 = arith.constant 0 : i32
      %gt3A_143 = arith.cmpi sgt, %scan3A_68, %gt3A_142 : i32
      %convert_element_type3A_144 = arith.extui %gt3A_143 : i1 to i32
      %cond3A_145 = arith.constant 0 : i32
      %cond3A_146 = arith.cmpi ne, %convert_element_type3A_144, %cond3A_145 : i32
      scf.if %cond3A_146 {
        %sub3A = arith.constant 3 : i32
        %sub3A_164 = arith.subi %add3A_134, %sub3A : i32
        %mul3A_165 = arith.constant 8 : i32
        %mul3A_166 = arith.muli %sub3A_164, %mul3A_165 : i32
        %add3A_167 = arith.addi %mul3A_2, %mul3A_166 : i32
        %dma_wait3A_168 = arith.constant 0 : i32
        %dma_wait3A_169 = tpu.memref_slice %arg4[%add3A_167, %dma_wait3A_168] : memref<16384x2048xf32, #tpu.memory_space<hbm>> -> memref<8x2048xf32, #tpu.memory_space<hbm>>
        %dma_wait3A_170 = arith.constant 0 : i32
        %dma_wait3A_171 = tpu.memref_slice %arg4[%add3A_167, %dma_wait3A_170] : memref<16384x2048xf32, #tpu.memory_space<hbm>> -> memref<8x2048xf32, #tpu.memory_space<hbm>>
        tpu.wait_dma2 semaphore(%arg19 : memref<!tpu.dma_semaphore, #tpu.memory_space<semaphore_mem>>) src(%arg13 : memref<8x2048xf32, #tpu.memory_space<vmem>>) dst(%dma_wait3A_171 : memref<8x2048xf32, #tpu.memory_space<hbm>>)
      } else {
      }
      %parallel_loop3A_147 = arith.constant 0 : i32
      %parallel_loop3A_148 = arith.constant 128 : i32
      %parallel_loop3A_149 = arith.constant 1 : i32
      scf.for %parallel_loop3A_164 = %parallel_loop3A_147 to %parallel_loop3A_148 step %parallel_loop3A_149  : i32 {
        %parallel_loop3A_165 = arith.constant 16 : i32
        %parallel_loop3A_166 = arith.muli %parallel_loop3A_164, %parallel_loop3A_165 : i32
        %parallel_loop3A_167 = arith.index_cast %parallel_loop3A_166 : i32 to index
        %parallel_loop3A_168 = tpu.vector_load %arg6[%parallel_loop3A_167] {strides = array<i32>} : memref<2048xi32, #tpu.memory_space<vmem>>, vector<16xi32>,
        %parallel_loop3A_169 = arith.constant 0 : i32
        %parallel_loop3A_170 = vector.broadcast %parallel_loop3A_169 : i32 to vector<16xi32>
        %parallel_loop3A_171 = tpu.vector_load_idx %arg10[%parallel_loop3A_170, %parallel_loop3A_168] : memref<8x2048xf32, #tpu.memory_space<vmem>>[vector<16xi32>, vector<16xi32>], vector<16xf32>,
        %parallel_loop3A_172 = arith.constant 16 : i32
        %parallel_loop3A_173 = arith.muli %parallel_loop3A_164, %parallel_loop3A_172 : i32
        %parallel_loop3A_174 = arith.constant 0 : i32
        %parallel_loop3A_175 = arith.index_cast %parallel_loop3A_174 : i32 to index
        %parallel_loop3A_176 = arith.index_cast %parallel_loop3A_173 : i32 to index
        %parallel_loop3A_177 = tpu.vector_load %arg13[%parallel_loop3A_175, %parallel_loop3A_176] {strides = array<i32>} : memref<8x2048xf32, #tpu.memory_space<vmem>>, vector<16xf32>,
        tpu.vector_store %arg13[%parallel_loop3A_175, %parallel_loop3A_176], %parallel_loop3A_171 {strides = array<i32>} : memref<8x2048xf32, #tpu.memory_space<vmem>>, vector<16xf32>,
        %parallel_loop3A_178 = arith.constant 1 : i32
        %parallel_loop3A_179 = vector.broadcast %parallel_loop3A_178 : i32 to vector<16xi32>
        %parallel_loop3A_180 = tpu.vector_load_idx %arg10[%parallel_loop3A_179, %parallel_loop3A_168] : memref<8x2048xf32, #tpu.memory_space<vmem>>[vector<16xi32>, vector<16xi32>], vector<16xf32>,
        %parallel_loop3A_181 = arith.constant 16 : i32
        %parallel_loop3A_182 = arith.muli %parallel_loop3A_164, %parallel_loop3A_181 : i32
        %parallel_loop3A_183 = arith.constant 1 : i32
        %parallel_loop3A_184 = arith.index_cast %parallel_loop3A_183 : i32 to index
        %parallel_loop3A_185 = arith.index_cast %parallel_loop3A_182 : i32 to index
        %parallel_loop3A_186 = tpu.vector_load %arg13[%parallel_loop3A_184, %parallel_loop3A_185] {strides = array<i32>} : memref<8x2048xf32, #tpu.memory_space<vmem>>, vector<16xf32>,
        tpu.vector_store %arg13[%parallel_loop3A_184, %parallel_loop3A_185], %parallel_loop3A_180 {strides = array<i32>} : memref<8x2048xf32, #tpu.memory_space<vmem>>, vector<16xf32>,
        %parallel_loop3A_187 = arith.constant 2 : i32
        %parallel_loop3A_188 = vector.broadcast %parallel_loop3A_187 : i32 to vector<16xi32>
        %parallel_loop3A_189 = tpu.vector_load_idx %arg10[%parallel_loop3A_188, %parallel_loop3A_168] : memref<8x2048xf32, #tpu.memory_space<vmem>>[vector<16xi32>, vector<16xi32>], vector<16xf32>,
        %parallel_loop3A_190 = arith.constant 16 : i32
        %parallel_loop3A_191 = arith.muli %parallel_loop3A_164, %parallel_loop3A_190 : i32
        %parallel_loop3A_192 = arith.constant 2 : i32
        %parallel_loop3A_193 = arith.index_cast %parallel_loop3A_192 : i32 to index
        %parallel_loop3A_194 = arith.index_cast %parallel_loop3A_191 : i32 to index
        %parallel_loop3A_195 = tpu.vector_load %arg13[%parallel_loop3A_193, %parallel_loop3A_194] {strides = array<i32>} : memref<8x2048xf32, #tpu.memory_space<vmem>>, vector<16xf32>,
        tpu.vector_store %arg13[%parallel_loop3A_193, %parallel_loop3A_194], %parallel_loop3A_189 {strides = array<i32>} : memref<8x2048xf32, #tpu.memory_space<vmem>>, vector<16xf32>,
        %parallel_loop3A_196 = arith.constant 3 : i32
        %parallel_loop3A_197 = vector.broadcast %parallel_loop3A_196 : i32 to vector<16xi32>
        %parallel_loop3A_198 = tpu.vector_load_idx %arg10[%parallel_loop3A_197, %parallel_loop3A_168] : memref<8x2048xf32, #tpu.memory_space<vmem>>[vector<16xi32>, vector<16xi32>], vector<16xf32>,
        %parallel_loop3A_199 = arith.constant 16 : i32
        %parallel_loop3A_200 = arith.muli %parallel_loop3A_164, %parallel_loop3A_199 : i32
        %parallel_loop3A_201 = arith.constant 3 : i32
        %parallel_loop3A_202 = arith.index_cast %parallel_loop3A_201 : i32 to index
        %parallel_loop3A_203 = arith.index_cast %parallel_loop3A_200 : i32 to index
        %parallel_loop3A_204 = tpu.vector_load %arg13[%parallel_loop3A_202, %parallel_loop3A_203] {strides = array<i32>} : memref<8x2048xf32, #tpu.memory_space<vmem>>, vector<16xf32>,
        tpu.vector_store %arg13[%parallel_loop3A_202, %parallel_loop3A_203], %parallel_loop3A_198 {strides = array<i32>} : memref<8x2048xf32, #tpu.memory_space<vmem>>, vector<16xf32>,
        %parallel_loop3A_205 = arith.constant 4 : i32
        %parallel_loop3A_206 = vector.broadcast %parallel_loop3A_205 : i32 to vector<16xi32>
        %parallel_loop3A_207 = tpu.vector_load_idx %arg10[%parallel_loop3A_206, %parallel_loop3A_168] : memref<8x2048xf32, #tpu.memory_space<vmem>>[vector<16xi32>, vector<16xi32>], vector<16xf32>,
        %parallel_loop3A_208 = arith.constant 16 : i32
        %parallel_loop3A_209 = arith.muli %parallel_loop3A_164, %parallel_loop3A_208 : i32
        %parallel_loop3A_210 = arith.constant 4 : i32
        %parallel_loop3A_211 = arith.index_cast %parallel_loop3A_210 : i32 to index
        %parallel_loop3A_212 = arith.index_cast %parallel_loop3A_209 : i32 to index
        %parallel_loop3A_213 = tpu.vector_load %arg13[%parallel_loop3A_211, %parallel_loop3A_212] {strides = array<i32>} : memref<8x2048xf32, #tpu.memory_space<vmem>>, vector<16xf32>,
        tpu.vector_store %arg13[%parallel_loop3A_211, %parallel_loop3A_212], %parallel_loop3A_207 {strides = array<i32>} : memref<8x2048xf32, #tpu.memory_space<vmem>>, vector<16xf32>,
        %parallel_loop3A_214 = arith.constant 5 : i32
        %parallel_loop3A_215 = vector.broadcast %parallel_loop3A_214 : i32 to vector<16xi32>
        %parallel_loop3A_216 = tpu.vector_load_idx %arg10[%parallel_loop3A_215, %parallel_loop3A_168] : memref<8x2048xf32, #tpu.memory_space<vmem>>[vector<16xi32>, vector<16xi32>], vector<16xf32>,
        %parallel_loop3A_217 = arith.constant 16 : i32
        %parallel_loop3A_218 = arith.muli %parallel_loop3A_164, %parallel_loop3A_217 : i32
        %parallel_loop3A_219 = arith.constant 5 : i32
        %parallel_loop3A_220 = arith.index_cast %parallel_loop3A_219 : i32 to index
        %parallel_loop3A_221 = arith.index_cast %parallel_loop3A_218 : i32 to index
        %parallel_loop3A_222 = tpu.vector_load %arg13[%parallel_loop3A_220, %parallel_loop3A_221] {strides = array<i32>} : memref<8x2048xf32, #tpu.memory_space<vmem>>, vector<16xf32>,
        tpu.vector_store %arg13[%parallel_loop3A_220, %parallel_loop3A_221], %parallel_loop3A_216 {strides = array<i32>} : memref<8x2048xf32, #tpu.memory_space<vmem>>, vector<16xf32>,
        %parallel_loop3A_223 = arith.constant 6 : i32
        %parallel_loop3A_224 = vector.broadcast %parallel_loop3A_223 : i32 to vector<16xi32>
        %parallel_loop3A_225 = tpu.vector_load_idx %arg10[%parallel_loop3A_224, %parallel_loop3A_168] : memref<8x2048xf32, #tpu.memory_space<vmem>>[vector<16xi32>, vector<16xi32>], vector<16xf32>,
        %parallel_loop3A_226 = arith.constant 16 : i32
        %parallel_loop3A_227 = arith.muli %parallel_loop3A_164, %parallel_loop3A_226 : i32
        %parallel_loop3A_228 = arith.constant 6 : i32
        %parallel_loop3A_229 = arith.index_cast %parallel_loop3A_228 : i32 to index
        %parallel_loop3A_230 = arith.index_cast %parallel_loop3A_227 : i32 to index
        %parallel_loop3A_231 = tpu.vector_load %arg13[%parallel_loop3A_229, %parallel_loop3A_230] {strides = array<i32>} : memref<8x2048xf32, #tpu.memory_space<vmem>>, vector<16xf32>,
        tpu.vector_store %arg13[%parallel_loop3A_229, %parallel_loop3A_230], %parallel_loop3A_225 {strides = array<i32>} : memref<8x2048xf32, #tpu.memory_space<vmem>>, vector<16xf32>,
        %parallel_loop3A_232 = arith.constant 7 : i32
        %parallel_loop3A_233 = vector.broadcast %parallel_loop3A_232 : i32 to vector<16xi32>
        %parallel_loop3A_234 = tpu.vector_load_idx %arg10[%parallel_loop3A_233, %parallel_loop3A_168] : memref<8x2048xf32, #tpu.memory_space<vmem>>[vector<16xi32>, vector<16xi32>], vector<16xf32>,
        %parallel_loop3A_235 = arith.constant 16 : i32
        %parallel_loop3A_236 = arith.muli %parallel_loop3A_164, %parallel_loop3A_235 : i32
        %parallel_loop3A_237 = arith.constant 7 : i32
        %parallel_loop3A_238 = arith.index_cast %parallel_loop3A_237 : i32 to index
        %parallel_loop3A_239 = arith.index_cast %parallel_loop3A_236 : i32 to index
        %parallel_loop3A_240 = tpu.vector_load %arg13[%parallel_loop3A_238, %parallel_loop3A_239] {strides = array<i32>} : memref<8x2048xf32, #tpu.memory_space<vmem>>, vector<16xf32>,
        tpu.vector_store %arg13[%parallel_loop3A_238, %parallel_loop3A_239], %parallel_loop3A_234 {strides = array<i32>} : memref<8x2048xf32, #tpu.memory_space<vmem>>, vector<16xf32>,
      } {sc.loop_unroll_factor = 4 : i64, sc.parallel_access}
      %mul3A_150 = arith.constant 8 : i32
      %mul3A_151 = arith.muli %add3A_134, %mul3A_150 : i32
      %add3A_152 = arith.addi %mul3A_2, %mul3A_151 : i32
      %dma_start3A_153 = arith.constant 0 : i32
      %dma_start3A_154 = tpu.memref_slice %arg4[%add3A_152, %dma_start3A_153] : memref<16384x2048xf32, #tpu.memory_space<hbm>> -> memref<8x2048xf32, #tpu.memory_space<hbm>>
      %dma_start3A_155 = arith.constant 0 : i32
      %dma_start3A_156 = tpu.memref_slice %arg4[%add3A_152, %dma_start3A_155] : memref<16384x2048xf32, #tpu.memory_space<hbm>> -> memref<8x2048xf32, #tpu.memory_space<hbm>>
      tpu.enqueue_dma source(%arg13 : memref<8x2048xf32, #tpu.memory_space<vmem>>) target(%dma_start3A_156 : memref<8x2048xf32, #tpu.memory_space<hbm>>) target_semaphore(%arg19 : memref<!tpu.dma_semaphore, #tpu.memory_space<semaphore_mem>>)
      %add3A_157 = arith.constant 3 : i32
      %add3A_158 = arith.addi %add3A_134, %add3A_157 : i32
      %lt3A_159 = arith.constant 64 : i32
      %lt3A_160 = arith.cmpi slt, %add3A_158, %lt3A_159 : i32
      %convert_element_type3A_161 = arith.extui %lt3A_160 : i1 to i32
      %cond3A_162 = arith.constant 0 : i32
      %cond3A_163 = arith.cmpi ne, %convert_element_type3A_161, %cond3A_162 : i32
      scf.if %cond3A_163 {
        %add3A_164 = arith.constant 3 : i32
        %add3A_165 = arith.addi %add3A_134, %add3A_164 : i32
        %mul3A_166 = arith.constant 8 : i32
        %mul3A_167 = arith.muli %add3A_165, %mul3A_166 : i32
        %add3A_168 = arith.addi %mul3A_2, %mul3A_167 : i32
        %dma_start3A_169 = arith.constant 0 : i32
        %dma_start3A_170 = tpu.memref_slice %arg2[%add3A_168, %dma_start3A_169] : memref<16384x2048xf32, #tpu.memory_space<hbm>> -> memref<8x2048xf32, #tpu.memory_space<hbm>>
        %dma_start3A_171 = arith.constant 0 : i32
        %dma_start3A_172 = tpu.memref_slice %arg2[%add3A_168, %dma_start3A_171] : memref<16384x2048xf32, #tpu.memory_space<hbm>> -> memref<8x2048xf32, #tpu.memory_space<hbm>>
        tpu.enqueue_dma source(%dma_start3A_172 : memref<8x2048xf32, #tpu.memory_space<hbm>>) target(%arg10 : memref<8x2048xf32, #tpu.memory_space<vmem>>) target_semaphore(%arg16 : memref<!tpu.dma_semaphore, #tpu.memory_space<semaphore_mem>>)
      } else {
      }
    }
    %scan3A_30 = arith.constant 21 : i32
    %add3A_31 = arith.constant 504 : i32
    %add3A_32 = arith.addi %mul3A_2, %add3A_31 : i32
    %dma_wait3A = arith.constant 0 : i32
    %dma_wait3A_33 = tpu.memref_slice %arg2[%add3A_32, %dma_wait3A] : memref<16384x2048xf32, #tpu.memory_space<hbm>> -> memref<8x2048xf32, #tpu.memory_space<hbm>>
    %dma_wait3A_34 = arith.constant 0 : i32
    %dma_wait3A_35 = tpu.memref_slice %arg2[%add3A_32, %dma_wait3A_34] : memref<16384x2048xf32, #tpu.memory_space<hbm>> -> memref<8x2048xf32, #tpu.memory_space<hbm>>
    tpu.wait_dma2 semaphore(%arg14 : memref<!tpu.dma_semaphore, #tpu.memory_space<semaphore_mem>>) src(%dma_wait3A_35 : memref<8x2048xf32, #tpu.memory_space<hbm>>) dst(%arg8 : memref<8x2048xf32, #tpu.memory_space<vmem>>)
    %add3A_36 = arith.constant 480 : i32
    %add3A_37 = arith.addi %mul3A_2, %add3A_36 : i32
    %dma_wait3A_38 = arith.constant 0 : i32
    %dma_wait3A_39 = tpu.memref_slice %arg4[%add3A_37, %dma_wait3A_38] : memref<16384x2048xf32, #tpu.memory_space<hbm>> -> memref<8x2048xf32, #tpu.memory_space<hbm>>
    %dma_wait3A_40 = arith.constant 0 : i32
    %dma_wait3A_41 = tpu.memref_slice %arg4[%add3A_37, %dma_wait3A_40] : memref<16384x2048xf32, #tpu.memory_space<hbm>> -> memref<8x2048xf32, #tpu.memory_space<hbm>>
    tpu.wait_dma2 semaphore(%arg17 : memref<!tpu.dma_semaphore, #tpu.memory_space<semaphore_mem>>) src(%arg11 : memref<8x2048xf32, #tpu.memory_space<vmem>>) dst(%dma_wait3A_41 : memref<8x2048xf32, #tpu.memory_space<hbm>>)
    %parallel_loop3A = arith.constant 0 : i32
    %parallel_loop3A_42 = arith.constant 128 : i32
    %parallel_loop3A_43 = arith.constant 1 : i32
    scf.for %parallel_loop3A_68 = %parallel_loop3A to %parallel_loop3A_42 step %parallel_loop3A_43  : i32 {
      %parallel_loop3A_69 = arith.constant 16 : i32
      %parallel_loop3A_70 = arith.muli %parallel_loop3A_68, %parallel_loop3A_69 : i32
      %parallel_loop3A_71 = arith.index_cast %parallel_loop3A_70 : i32 to index
      %parallel_loop3A_72 = tpu.vector_load %arg6[%parallel_loop3A_71] {strides = array<i32>} : memref<2048xi32, #tpu.memory_space<vmem>>, vector<16xi32>,
      %parallel_loop3A_73 = arith.constant 0 : i32
      %parallel_loop3A_74 = vector.broadcast %parallel_loop3A_73 : i32 to vector<16xi32>
      %parallel_loop3A_75 = tpu.vector_load_idx %arg8[%parallel_loop3A_74, %parallel_loop3A_72] : memref<8x2048xf32, #tpu.memory_space<vmem>>[vector<16xi32>, vector<16xi32>], vector<16xf32>,
      %parallel_loop3A_76 = arith.constant 16 : i32
      %parallel_loop3A_77 = arith.muli %parallel_loop3A_68, %parallel_loop3A_76 : i32
      %parallel_loop3A_78 = arith.constant 0 : i32
      %parallel_loop3A_79 = arith.index_cast %parallel_loop3A_78 : i32 to index
      %parallel_loop3A_80 = arith.index_cast %parallel_loop3A_77 : i32 to index
      %parallel_loop3A_81 = tpu.vector_load %arg11[%parallel_loop3A_79, %parallel_loop3A_80] {strides = array<i32>} : memref<8x2048xf32, #tpu.memory_space<vmem>>, vector<16xf32>,
      tpu.vector_store %arg11[%parallel_loop3A_79, %parallel_loop3A_80], %parallel_loop3A_75 {strides = array<i32>} : memref<8x2048xf32, #tpu.memory_space<vmem>>, vector<16xf32>,
      %parallel_loop3A_82 = arith.constant 1 : i32
      %parallel_loop3A_83 = vector.broadcast %parallel_loop3A_82 : i32 to vector<16xi32>
      %parallel_loop3A_84 = tpu.vector_load_idx %arg8[%parallel_loop3A_83, %parallel_loop3A_72] : memref<8x2048xf32, #tpu.memory_space<vmem>>[vector<16xi32>, vector<16xi32>], vector<16xf32>,
      %parallel_loop3A_85 = arith.constant 16 : i32
      %parallel_loop3A_86 = arith.muli %parallel_loop3A_68, %parallel_loop3A_85 : i32
      %parallel_loop3A_87 = arith.constant 1 : i32
      %parallel_loop3A_88 = arith.index_cast %parallel_loop3A_87 : i32 to index
      %parallel_loop3A_89 = arith.index_cast %parallel_loop3A_86 : i32 to index
      %parallel_loop3A_90 = tpu.vector_load %arg11[%parallel_loop3A_88, %parallel_loop3A_89] {strides = array<i32>} : memref<8x2048xf32, #tpu.memory_space<vmem>>, vector<16xf32>,
      tpu.vector_store %arg11[%parallel_loop3A_88, %parallel_loop3A_89], %parallel_loop3A_84 {strides = array<i32>} : memref<8x2048xf32, #tpu.memory_space<vmem>>, vector<16xf32>,
      %parallel_loop3A_91 = arith.constant 2 : i32
      %parallel_loop3A_92 = vector.broadcast %parallel_loop3A_91 : i32 to vector<16xi32>
      %parallel_loop3A_93 = tpu.vector_load_idx %arg8[%parallel_loop3A_92, %parallel_loop3A_72] : memref<8x2048xf32, #tpu.memory_space<vmem>>[vector<16xi32>, vector<16xi32>], vector<16xf32>,
      %parallel_loop3A_94 = arith.constant 16 : i32
      %parallel_loop3A_95 = arith.muli %parallel_loop3A_68, %parallel_loop3A_94 : i32
      %parallel_loop3A_96 = arith.constant 2 : i32
      %parallel_loop3A_97 = arith.index_cast %parallel_loop3A_96 : i32 to index
      %parallel_loop3A_98 = arith.index_cast %parallel_loop3A_95 : i32 to index
      %parallel_loop3A_99 = tpu.vector_load %arg11[%parallel_loop3A_97, %parallel_loop3A_98] {strides = array<i32>} : memref<8x2048xf32, #tpu.memory_space<vmem>>, vector<16xf32>,
      tpu.vector_store %arg11[%parallel_loop3A_97, %parallel_loop3A_98], %parallel_loop3A_93 {strides = array<i32>} : memref<8x2048xf32, #tpu.memory_space<vmem>>, vector<16xf32>,
      %parallel_loop3A_100 = arith.constant 3 : i32
      %parallel_loop3A_101 = vector.broadcast %parallel_loop3A_100 : i32 to vector<16xi32>
      %parallel_loop3A_102 = tpu.vector_load_idx %arg8[%parallel_loop3A_101, %parallel_loop3A_72] : memref<8x2048xf32, #tpu.memory_space<vmem>>[vector<16xi32>, vector<16xi32>], vector<16xf32>,
      %parallel_loop3A_103 = arith.constant 16 : i32
      %parallel_loop3A_104 = arith.muli %parallel_loop3A_68, %parallel_loop3A_103 : i32
      %parallel_loop3A_105 = arith.constant 3 : i32
      %parallel_loop3A_106 = arith.index_cast %parallel_loop3A_105 : i32 to index
      %parallel_loop3A_107 = arith.index_cast %parallel_loop3A_104 : i32 to index
      %parallel_loop3A_108 = tpu.vector_load %arg11[%parallel_loop3A_106, %parallel_loop3A_107] {strides = array<i32>} : memref<8x2048xf32, #tpu.memory_space<vmem>>, vector<16xf32>,
      tpu.vector_store %arg11[%parallel_loop3A_106, %parallel_loop3A_107], %parallel_loop3A_102 {strides = array<i32>} : memref<8x2048xf32, #tpu.memory_space<vmem>>, vector<16xf32>,
      %parallel_loop3A_109 = arith.constant 4 : i32
      %parallel_loop3A_110 = vector.broadcast %parallel_loop3A_109 : i32 to vector<16xi32>
      %parallel_loop3A_111 = tpu.vector_load_idx %arg8[%parallel_loop3A_110, %parallel_loop3A_72] : memref<8x2048xf32, #tpu.memory_space<vmem>>[vector<16xi32>, vector<16xi32>], vector<16xf32>,
      %parallel_loop3A_112 = arith.constant 16 : i32
      %parallel_loop3A_113 = arith.muli %parallel_loop3A_68, %parallel_loop3A_112 : i32
      %parallel_loop3A_114 = arith.constant 4 : i32
      %parallel_loop3A_115 = arith.index_cast %parallel_loop3A_114 : i32 to index
      %parallel_loop3A_116 = arith.index_cast %parallel_loop3A_113 : i32 to index
      %parallel_loop3A_117 = tpu.vector_load %arg11[%parallel_loop3A_115, %parallel_loop3A_116] {strides = array<i32>} : memref<8x2048xf32, #tpu.memory_space<vmem>>, vector<16xf32>,
      tpu.vector_store %arg11[%parallel_loop3A_115, %parallel_loop3A_116], %parallel_loop3A_111 {strides = array<i32>} : memref<8x2048xf32, #tpu.memory_space<vmem>>, vector<16xf32>,
      %parallel_loop3A_118 = arith.constant 5 : i32
      %parallel_loop3A_119 = vector.broadcast %parallel_loop3A_118 : i32 to vector<16xi32>
      %parallel_loop3A_120 = tpu.vector_load_idx %arg8[%parallel_loop3A_119, %parallel_loop3A_72] : memref<8x2048xf32, #tpu.memory_space<vmem>>[vector<16xi32>, vector<16xi32>], vector<16xf32>,
      %parallel_loop3A_121 = arith.constant 16 : i32
      %parallel_loop3A_122 = arith.muli %parallel_loop3A_68, %parallel_loop3A_121 : i32
      %parallel_loop3A_123 = arith.constant 5 : i32
      %parallel_loop3A_124 = arith.index_cast %parallel_loop3A_123 : i32 to index
      %parallel_loop3A_125 = arith.index_cast %parallel_loop3A_122 : i32 to index
      %parallel_loop3A_126 = tpu.vector_load %arg11[%parallel_loop3A_124, %parallel_loop3A_125] {strides = array<i32>} : memref<8x2048xf32, #tpu.memory_space<vmem>>, vector<16xf32>,
      tpu.vector_store %arg11[%parallel_loop3A_124, %parallel_loop3A_125], %parallel_loop3A_120 {strides = array<i32>} : memref<8x2048xf32, #tpu.memory_space<vmem>>, vector<16xf32>,
      %parallel_loop3A_127 = arith.constant 6 : i32
      %parallel_loop3A_128 = vector.broadcast %parallel_loop3A_127 : i32 to vector<16xi32>
      %parallel_loop3A_129 = tpu.vector_load_idx %arg8[%parallel_loop3A_128, %parallel_loop3A_72] : memref<8x2048xf32, #tpu.memory_space<vmem>>[vector<16xi32>, vector<16xi32>], vector<16xf32>,
      %parallel_loop3A_130 = arith.constant 16 : i32
      %parallel_loop3A_131 = arith.muli %parallel_loop3A_68, %parallel_loop3A_130 : i32
      %parallel_loop3A_132 = arith.constant 6 : i32
      %parallel_loop3A_133 = arith.index_cast %parallel_loop3A_132 : i32 to index
      %parallel_loop3A_134 = arith.index_cast %parallel_loop3A_131 : i32 to index
      %parallel_loop3A_135 = tpu.vector_load %arg11[%parallel_loop3A_133, %parallel_loop3A_134] {strides = array<i32>} : memref<8x2048xf32, #tpu.memory_space<vmem>>, vector<16xf32>,
      tpu.vector_store %arg11[%parallel_loop3A_133, %parallel_loop3A_134], %parallel_loop3A_129 {strides = array<i32>} : memref<8x2048xf32, #tpu.memory_space<vmem>>, vector<16xf32>,
      %parallel_loop3A_136 = arith.constant 7 : i32
      %parallel_loop3A_137 = vector.broadcast %parallel_loop3A_136 : i32 to vector<16xi32>
      %parallel_loop3A_138 = tpu.vector_load_idx %arg8[%parallel_loop3A_137, %parallel_loop3A_72] : memref<8x2048xf32, #tpu.memory_space<vmem>>[vector<16xi32>, vector<16xi32>], vector<16xf32>,
      %parallel_loop3A_139 = arith.constant 16 : i32
      %parallel_loop3A_140 = arith.muli %parallel_loop3A_68, %parallel_loop3A_139 : i32
      %parallel_loop3A_141 = arith.constant 7 : i32
      %parallel_loop3A_142 = arith.index_cast %parallel_loop3A_141 : i32 to index
      %parallel_loop3A_143 = arith.index_cast %parallel_loop3A_140 : i32 to index
      %parallel_loop3A_144 = tpu.vector_load %arg11[%parallel_loop3A_142, %parallel_loop3A_143] {strides = array<i32>} : memref<8x2048xf32, #tpu.memory_space<vmem>>, vector<16xf32>,
      tpu.vector_store %arg11[%parallel_loop3A_142, %parallel_loop3A_143], %parallel_loop3A_138 {strides = array<i32>} : memref<8x2048xf32, #tpu.memory_space<vmem>>, vector<16xf32>,
    } {sc.loop_unroll_factor = 4 : i64, sc.parallel_access}
    %add3A_44 = arith.constant 504 : i32
    %add3A_45 = arith.addi %mul3A_2, %add3A_44 : i32
    %dma_start3A_46 = arith.constant 0 : i32
    %dma_start3A_47 = tpu.memref_slice %arg4[%add3A_45, %dma_start3A_46] : memref<16384x2048xf32, #tpu.memory_space<hbm>> -> memref<8x2048xf32, #tpu.memory_space<hbm>>
    %dma_start3A_48 = arith.constant 0 : i32
    %dma_start3A_49 = tpu.memref_slice %arg4[%add3A_45, %dma_start3A_48] : memref<16384x2048xf32, #tpu.memory_space<hbm>> -> memref<8x2048xf32, #tpu.memory_space<hbm>>
    tpu.enqueue_dma source(%arg11 : memref<8x2048xf32, #tpu.memory_space<vmem>>) target(%dma_start3A_49 : memref<8x2048xf32, #tpu.memory_space<hbm>>) target_semaphore(%arg17 : memref<!tpu.dma_semaphore, #tpu.memory_space<semaphore_mem>>)
    %add3A_50 = arith.constant 488 : i32
    %add3A_51 = arith.addi %mul3A_2, %add3A_50 : i32
    %dma_wait3A_52 = arith.constant 0 : i32
    %dma_wait3A_53 = tpu.memref_slice %arg4[%add3A_51, %dma_wait3A_52] : memref<16384x2048xf32, #tpu.memory_space<hbm>> -> memref<8x2048xf32, #tpu.memory_space<hbm>>
    %dma_wait3A_54 = arith.constant 0 : i32
    %dma_wait3A_55 = tpu.memref_slice %arg4[%add3A_51, %dma_wait3A_54] : memref<16384x2048xf32, #tpu.memory_space<hbm>> -> memref<8x2048xf32, #tpu.memory_space<hbm>>
    tpu.wait_dma2 semaphore(%arg18 : memref<!tpu.dma_semaphore, #tpu.memory_space<semaphore_mem>>) src(%arg12 : memref<8x2048xf32, #tpu.memory_space<vmem>>) dst(%dma_wait3A_55 : memref<8x2048xf32, #tpu.memory_space<hbm>>)
    %add3A_56 = arith.constant 496 : i32
    %add3A_57 = arith.addi %mul3A_2, %add3A_56 : i32
    %dma_wait3A_58 = arith.constant 0 : i32
    %dma_wait3A_59 = tpu.memref_slice %arg4[%add3A_57, %dma_wait3A_58] : memref<16384x2048xf32, #tpu.memory_space<hbm>> -> memref<8x2048xf32, #tpu.memory_space<hbm>>
    %dma_wait3A_60 = arith.constant 0 : i32
    %dma_wait3A_61 = tpu.memref_slice %arg4[%add3A_57, %dma_wait3A_60] : memref<16384x2048xf32, #tpu.memory_space<hbm>> -> memref<8x2048xf32, #tpu.memory_space<hbm>>
    tpu.wait_dma2 semaphore(%arg19 : memref<!tpu.dma_semaphore, #tpu.memory_space<semaphore_mem>>) src(%arg13 : memref<8x2048xf32, #tpu.memory_space<vmem>>) dst(%dma_wait3A_61 : memref<8x2048xf32, #tpu.memory_space<hbm>>)
    %add3A_62 = arith.constant 504 : i32
    %add3A_63 = arith.addi %mul3A_2, %add3A_62 : i32
    %dma_wait3A_64 = arith.constant 0 : i32
    %dma_wait3A_65 = tpu.memref_slice %arg4[%add3A_63, %dma_wait3A_64] : memref<16384x2048xf32, #tpu.memory_space<hbm>> -> memref<8x2048xf32, #tpu.memory_space<hbm>>
    %dma_wait3A_66 = arith.constant 0 : i32
    %dma_wait3A_67 = tpu.memref_slice %arg4[%add3A_63, %dma_wait3A_66] : memref<16384x2048xf32, #tpu.memory_space<hbm>> -> memref<8x2048xf32, #tpu.memory_space<hbm>>
    tpu.wait_dma2 semaphore(%arg17 : memref<!tpu.dma_semaphore, #tpu.memory_space<semaphore_mem>>) src(%arg11 : memref<8x2048xf32, #tpu.memory_space<vmem>>) dst(%dma_wait3A_67 : memref<8x2048xf32, #tpu.memory_space<hbm>>)
    return
  }
}

</mosaic_0001>

<sc_bundles>
// kernel: _permute.3.cloned.1.call-start
scs
__scs_entry_jumppad:
0x0: {  	(pc) =	sbr.rel $0x88, $3  }
0x1: {  	(tag) =	ssettag $0x0;
	lr =	simm.s32 $0x1  }
0x2: {  	[smem:$0x3F9F] =	sst lr;
	_ =	strace $0xD0000000  }
0x3: {  	_ = 	snop  }
0x4: {  	_ = 	snop  }
0x5: {  	_ = 	snop  }
0x6: {  	_ = 	snop  }
0x7: {  	_ = 	snop  }
__scs_overlays_trampoline_lowered:
0x8: {  	[smem:$0x3FAE] =	sst s0  }
0x9: {  	[smem:$0x3FAF] =	sst s1  }
0xa: {  	[smem:$0x3FB0] =	sst s2  }
0xb: {  	[smem:$0x3FB1] =	sst s3  }
0xc: {  	[smem:$0x3FB2] =	sst s4  }
0xd: {  	[smem:$0x3FB3] =	sst s5  }
0xe: {  	[smem:$0x3FB4] =	sst s6  }
0xf: {  	[smem:$0x3FB5] =	sst s7  }
0x10: {  	[smem:$0x3FB6] =	sst s8  }
0x11: {  	[smem:$0x3FB7] =	sst s9;
	s0 =	simm.s32 @!p0 $0x0  }
0x12: {  	s1 =	sld [smem:$0x3F9D];
	s0 =	simm.s32 @p0 $0x1  }
0x13: {  	[smem:$0x3FB8] =	sst s0;
	s0 =	simm.s32 @!p1 $0x0  }
0x14: {  	s2 =	sld [smem:$0x3F9C];
	s0 =	simm.s32 @p1 $0x1  }
0x15: {  	[smem:$0x3FB9] =	sst s0;
	s0 =	simm.s32 @!p2 $0x0  }
0x16: {  	s3 =	sld [smem:$0x3FDB];
	s0 =	simm.s32 @p2 $0x1  }
0x17: {  	s4 =	simm.s32 $0x1BF5;
	[smem:$0x3FBB] =	sst s0  }
0x18: {  	s0 =	sld [smem:$0x3F9E];
	_ =	swait.ge [sflag:s4], $0x0  }
0x19: {  	s7 =	sld [smem:$0x3F9F]  }
0x1a: {  	s8 =	sadd.s32 $0xFFFFE003, lr  }
0x1b: {  	s9 =	sadd.s32 $0xFFFFFEF7, lr;
	s5 =	simm.s32 $0xFFFFFFFF;
	p2 =	slt.u32 s8, $0xFFFFF086  }
0x1c: {  	p1 =	slt.u32 s9, $0xF7A;
	s5 =	simm.s32 @!p2 $0x0  }
0x1d: {  	s5 =	simm.s32 @p1 $0x1;
	p0 =	seq.s32 s7, s2  }
0x1e: {  	s7 =	smul.u32 @!p0 $0xF7A, s2;
	p2 =	seq.s32 @!p0 s5, $0x0  }
0x1f: {  	s9 =	smul.u32 $0xF7A, s1;
	s8 =	simm.s32 @!p0 $0x1BF5;
	p2 =	por !p2, p0  }
0x20: {  	[sflag:s8] =	ssyncset.s32 @!p0 $0xFFFFF086;
	s6 =	sadd.s32 @!p0 s3, s7;
	s7 =	simm.s32 @!p0 $0x108  }
0x21: {  	s3 =	sadd.s32 s3, s9;
	s6 =	sadd.s32 @!p0 $0x88, s6;
	s7 =	simm.s32 @p2 $0x1082  }
0x22: {  	[simem:s7], [sflag:s8] =	dma.local @!p0 [hbm:s6], $0xF7A  }
0x23: {  	s9 =	sor.u32 $0xD0000000, s2;
	s6 =	simm.s32 $0x108;
	_ =	swait.ge @!p0 [sflag:s8], $0x0  }
0x24: {  	s3 =	sadd.s32 $0x88, s3;
	s6 =	simm.s32 @!p1 $0x1082;
	[sflag:s4] =	ssyncset.s32 $0xFFFFF086  }
0x25: {  	[simem:s6], [sflag:s4] =	dma.local [hbm:s3], $0xF7A  }
0x26: {  	[smem:$0x3F9F] =	sst s1;
	(tag) =	ssettag s2;
	_ =	strace s9  }
0x27: {  	s1 =	sld [smem:$0x3FAF]  }
0x28: {  	s2 =	sld [smem:$0x3FB0]  }
0x29: {  	s4 =	sld [smem:$0x3FB2]  }
0x2a: {  	p0 =	seq.s32 s5, $0x0;
	s5 =	sld [smem:$0x3FB3]  }
0x2b: {  	s6 =	sld [smem:$0x3FB4]  }
0x2c: {  	s7 =	sld [smem:$0x3FB5]  }
0x2d: {  	s3 =	simm.s32 $0x108;
	s8 =	sld [smem:$0x3FB6]  }
0x2e: {  	s3 =	simm.s32 @!p0 $0x1082;
	s9 =	sld [smem:$0x3FB7]  }
0x2f: {  	lr =	sadd.s32 s0, s3;
	s0 =	sld [smem:$0x3FAE]  }
0x30: {  	s3 =	sld [smem:$0x3FB1]  }
0x31: {  	[smem:$0x3FBA] =	sst s10  }
0x32: {  	s10 =	sld [smem:$0x3FB8];
	_ =	sdelay $0x3  }
0x33: {  	p0 =	seq.s32 s10, $0x1;
	s10 =	sld [smem:$0x3FBA];
	_ =	sdelay $0x3  }
0x34: {  	[smem:$0x3FBA] =	sst s10  }
0x35: {  	s10 =	sld [smem:$0x3FB9];
	_ =	sdelay $0x3  }
0x36: {  	p1 =	seq.s32 s10, $0x1;
	s10 =	sld [smem:$0x3FBA];
	_ =	sdelay $0x3  }
0x37: {  	[smem:$0x3FBA] =	sst s10  }
0x38: {  	s10 =	sld [smem:$0x3FBB]  }
0x39: {  	_ = 	snop;
	(pc) =	sbr.ind lr, $3  }
0x3a: {  	_ = 	snop  }
0x3b: {  	_ = 	snop  }
0x3c: {  	p2 =	seq.s32 s10, $0x1;
	s10 =	sld [smem:$0x3FBA]  }
0x3d: {  	_ =	shalt  }
0x3e: {  	_ =	shalt  }
0x3f: {  	_ =	shalt  }
0x40: {  	_ =	shalt  }
0x41: {  	_ =	shalt  }
0x42: {  	_ =	shalt  }
0x43: {  	_ =	shalt  }
0x44: {  	_ =	shalt  }
0x45: {  	_ =	shalt  }
0x46: {  	_ =	shalt  }
0x47: {  	_ =	shalt  }
0x48: {  	_ =	shalt  }
0x49: {  	_ =	shalt  }
0x4a: {  	_ =	shalt  }
0x4b: {  	_ =	shalt  }
0x4c: {  	_ =	shalt  }
0x4d: {  	_ =	shalt  }
0x4e: {  	_ =	shalt  }
0x4f: {  	_ =	shalt  }
0x50: {  	_ =	shalt  }
0x51: {  	_ =	shalt  }
0x52: {  	_ =	shalt  }
0x53: {  	_ =	shalt  }
0x54: {  	_ =	shalt  }
0x55: {  	_ =	shalt  }
0x56: {  	_ =	shalt  }
0x57: {  	_ =	shalt  }
0x58: {  	_ =	shalt  }
0x59: {  	_ =	shalt  }
0x5a: {  	_ =	shalt  }
0x5b: {  	_ =	shalt  }
0x5c: {  	_ =	shalt  }
0x5d: {  	_ =	shalt  }
0x5e: {  	_ =	shalt  }
0x5f: {  	_ =	shalt  }
0x60: {  	_ =	shalt  }
0x61: {  	_ =	shalt  }
0x62: {  	_ =	shalt  }
0x63: {  	_ =	shalt  }
0x64: {  	_ =	shalt  }
0x65: {  	_ =	shalt  }
0x66: {  	_ =	shalt  }
0x67: {  	_ =	shalt  }
0x68: {  	_ =	shalt  }
0x69: {  	_ =	shalt  }
0x6a: {  	_ =	shalt  }
0x6b: {  	_ =	shalt  }
0x6c: {  	_ =	shalt  }
0x6d: {  	_ =	shalt  }
0x6e: {  	_ =	shalt  }
0x6f: {  	_ =	shalt  }
0x70: {  	_ =	shalt  }
0x71: {  	_ =	shalt  }
0x72: {  	_ =	shalt  }
0x73: {  	_ =	shalt  }
0x74: {  	_ =	shalt  }
0x75: {  	_ =	shalt  }
0x76: {  	_ =	shalt  }
0x77: {  	_ =	shalt  }
0x78: {  	_ =	shalt  }
0x79: {  	_ =	shalt  }
0x7a: {  	_ =	shalt  }
0x7b: {  	_ =	shalt  }
0x7c: {  	_ =	shalt  }
0x7d: {  	_ =	shalt  }
0x7e: {  	_ =	shalt  }
0x7f: {  	_ =	shalt  }
0x80: {  	_ =	shalt  }
0x81: {  	_ =	shalt  }
0x82: {  	_ =	shalt  }
0x83: {  	_ =	shalt  }
0x84: {  	_ =	shalt  }
0x85: {  	_ =	shalt  }
0x86: {  	_ =	shalt  }
0x87: {  	_ =	shalt  }
.Lfunc_end0:
.L_simem_size_0:
called_computation_lowered:
.L_overlay_start_0:
0x88: {  	s2 =	sld [smem:$0x3FD9]  }
0x89: {  	s3 =	sld [smem:$0x3FFE];
	_ =	sdelay $0x1  }
0x8a: {  	s1 =	srdreg.scid  }
0x8b: {  	s0 =	sand.u32 $0x1, s1  }
0x8c: {  	s15 =	sshll.u32 s0, $0xA;
	s2 =	sadd.s32 s3, s2  }
0x8d: {  	s2 =	sadd.s32 s2, s15  }
0x8e: {  	[smem:$0x3FC6] =	sst s2  }
0x8f: {  	_ = 	snop  }
0x90: {  	s2 =	sld [smem:$0x3FD0];
	_ =	sdelay $0x1  }
0x91: {  	s16 =	sld [smem:$0x3FC9]  }
0x92: {  	s5 =	simm.s32 $0xA;
	s6 =	simm.s32 $0x10;
	s4 =	sld [smem:$0x3FC8]  }
0x93: {  	[smem:s6], [sflag:s5] =	dma.local [hbm:s2], $0x1  }
0x94: {  	_ =	swait.eq [sflag:s5], $0x1  }
0x95: {  	[sflag:s5] =	ssyncset.done $0x0  }
0x96: {  	s17 =	sld [smem:$0x10];
	[sflag:s5] =	ssyncadd.s32 $0xFFFFFFFF  }
0x97: {  	s18 =	sld [smem:$0x11];
	(tm) =	ssettm $0x1  }
0x98: {  	s19 =	sld [smem:$0x3FFB];
	_ =	sdelay $0x3  }
0x99: {  	_ =	strace s19  }
0x9a: {  	s6 =	sld [smem:$0x3FFC];
	_ =	sdelay $0x3  }
0x9b: {  	_ =	strace s6  }
0x9c: {  	s6 =	sld [smem:$0x3FFD];
	_ =	sdelay $0x3  }
0x9d: {  	_ =	strace s6  }
0x9e: {  	_ =	strace $0x8FFFFFFF  }
0x9f: {  	s20 =	sld [smem:$0x3FDB];
	_ =	sdelay $0x1  }
0xa0: {  	s7 =	simm.s32 $_scs_section_size  }
0xa1: {  	s8 =	simm.s32 $_size__tile_overlayer_lowered;
	s9 =	simm.s32 $_tile_overlayer_lowered  }
0xa2: {  	s23 =	simm.s32 $0x1BFF;
	s22 =	sshll.u32 s9, $0x1;
	s6 =	sadd.s32 s7, s20  }
0xa3: {  	s10 =	simm.s32 $0x0;
	s21 =	sshll.u32 s8, $0x1;
	s8 =	sadd.s32 s22, s6  }
0xa4: {  	[timem:s10], [sflag:s23] =	dma.local [hbm:s8], s21  }
0xa5: {  	_ =	swait.ge [sflag:s23], s21  }
0xa6: {  	s7 =	ssub.s32 $0x0, s21;
	[sflag:s23] =	ssyncset.done $0x0  }
0xa7: {  	[sflag:s23] =	ssyncadd.s32 s7;
	_ =	sdelay $0x1  }
0xa8: {  	s24 =	simm.s32 $0x1B8B  }
0xa9: {  	_ =	swait.ge [sflag:s24], $0x1  }
0xaa: {  	[sflag:s24] =	ssyncset.done $0x0  }
0xab: {  	s25 =	simm.s32 $0x1B8E;
	[sflag:s24] =	ssyncadd.s32 $0xFFFFFFFF  }
0xac: {  	s26 =	simm.s32 $execute0_lowered;
	[smem:$0x3FD2] =	sst s25  }
0xad: {  	s7 =	sshll.u32 s26, $0x1;
	_ =	strace $0x80000046;
	[dreg:$0x1] =	wrdreg $0xFFFFFFFF  }
0xae: {  	s28 =	simm.s32 $_size_execute0_lowered;
	s6 =	sadd.s32 s6, s7;
	[dreg:$0x0] =	wrdreg $0x0  }
0xaf: {  	s7 =	sshll.u32 s28, $0x1;
	[dreg:$0x2] =	wrdreg s6  }
0xb0: {  	[dreg:$0x3] =	wrdreg s7  }
0xb1: {  	[dreg:$0x4] =	wrdreg $0xC0  }
0xb2: {  	_ =	task [dreg:s10], $0x5FFFF  }
0xb3: {  	[dreg:$0x1] =	wrdreg $0xFFFFFFFF  }
0xb4: {  	[dreg:$0x0] =	wrdreg $0x60  }
0xb5: {  	[dreg:$0x2] =	wrdreg s16  }
0xb6: {  	[dreg:$0x3] =	wrdreg s4  }
0xb7: {  	[dreg:$0x4] =	wrdreg s17  }
0xb8: {  	[dreg:$0x5] =	wrdreg s18  }
0xb9: {  	[dreg:$0x6] =	wrdreg $0x9  }
0xba: {  	_ =	task.clear_ibuf [dreg:s10], $0x7FFFF;
	_ =	strace $0x90000046  }
0xbb: {  	s29 =	simm.s32 $0x9;
	_ =	strace $0x80000048  }
0xbc: {  	_ =	swait.ge [sflag:s29], $0x1  }
0xbd: {  	[sflag:s29] =	ssyncadd.s32 $0xFFFFFFFF  }
0xbe: {  	_ =	strace $0x90000048  }
0xbf: {  	_ =	sfence  }
0xc0: {  	s30 =	sld [smem:$0x0];
	_ =	sdelay $0x2  }
0xc1: {  	s31 =	sshll.u32 s1, $0xD;
	s1 =	sshrl.u32 s1, $0x2  }
0xc2: {  	s3 =	sand.u32 $0x4000, s31;
	s1 =	sadd.s32 s1, s30  }
0xc3: {  	s0 =	sor.u32 s3, s0;
	s1 =	sshll.u32 s1, $0x11  }
0xc4: {  	s0 =	sor.u32 s1, s0  }
0xc5: {  	s0 =	sadd.s32 $0x8F2B, s0  }
0xc6: {  	[sflag:s0] =	ssyncadd.remote.s32 $0x1  }
0xc7: {  	_ =	sfence.sel $0xFFFF  }
0xc8: {  	[dreg:$0x0] =	wrdreg $0xFFFFFFFF;
	(pc) =	sbr.abs _section_cstart, $3  }
0xc9: {  	[dreg:$0x1] =	wrdreg $0xFFFFFFFF  }
0xca: {  	_ =	task.clear_ibuf [dreg:s10], $0x2FFFF;
	_ =	strace $0x9FFFFFFF  }
0xcb: {  	(tm) =	ssettm $0x7FFFFFFF  }
tec
execute0_lowered:
.L_overlay_start_1:
0x0: {  	(tag) =	ssettag $0x1  }
0x1: {  	s4 =	rddreg [dreg:$0x0]  }
0x2: {  	s6 =	rddreg [dreg:$0x2];
	s0 =	srdreg.scid  }
0x3: {  	s1 =	rddreg [dreg:$0x3];
	s2 =	stileid.u32;
	s0 =	sand.u32 $0x1, s0  }
0x4: {  	s5 =	simm.s32 $0x0;
	s2 =	sshll.u32 s2, $0xA;
	s3 =	sshll.u32 s0, $0x9  }
0x5: {  	[smem:$0x7FF] =	sst s5;
	s7 =	sor.u32 s3, s2  }
0x6: {  	_ =	strace $0x80000047;
	s28 =	sor.u32 $0x8, s7;
	[dreg:$0x5] =	wrdreg s7  }
0x7: {  	s3 =	sshll.u32 s7, $0x8;
	s30 =	sor.u32 $0x10, s7;
	[dreg:$0xb] =	wrdreg s28  }
0x8: {  	s25 =	sshrl.u32 s7, $0x3;
	s24 =	sadd.s32 s4, s3;
	[dreg:$0xd] =	wrdreg s30  }
0x9: {  	s0 =	ssub.s32 $0x2, s0;
	s1 =	sadd.s32 s1, s25;
	[dreg:$0x6] =	wrdreg s24  }
0xa: {  	s23 =	sshrl.u32 s0, $0x1;
	s26 =	sor.u32 $0x3, s25;
	[dreg:$0x9] =	wrdreg s1  }
0xb: {  	s0 =	ssub.s32 s0, s23;
	s29 =	sor.u32 $0x4, s25;
	[dreg:$0xa] =	wrdreg s26  }
0xc: {  	s0 =	smax.u32 s0, $0x1;
	[dreg:$0xc] =	wrdreg s29  }
0xd: {  	s4 =	sadd.s32 $0x800, s24;
	[dreg:$0x10] =	wrdreg s0  }
0xe: {  	s31 =	sadd.s32 s3, s6;
	s2 =	sadd.s32 $0x1000, s24;
	[dreg:$0x7] =	wrdreg s4  }
0xf: {  	s19 =	simm.s32 $0xA00;
	s1 =	sadd.s32 $0x1F800, s31;
	[dreg:$0x8] =	wrdreg s2  }
0x10: {  	s20 =	simm.s32 $0x4A00;
	s2 =	sor.u32 $0x5, s25;
	[dreg:$0xf] =	wrdreg s1  }
0x11: {  	s21 =	simm.s32 $0x8A00;
	v0 =	vimm.f32 $0.0e+00;
	s1 =	simm.s32 $0x0;
	[dreg:$0xe] =	wrdreg s2  }
.LBB2_1:
0x12: {  	[dreg:$0x11] =	wrdreg s1  }
0x13: {  	s0 =	rddreg [dreg:$0x1];
	s26 =	simm.s32 $0x7  }
0x14: {  	[tilespmem:s5], [sflag:$0x7] =	stream.linear.gather [hbm4b:s0+s5], $0x800, $0x38;
	[tilespmem:$0x18A00] =	vst v63  }
0x15: {  	_ =	swait.ge [sflag:s26], $0x800  }
0x16: {  	[sflag:s26] =	ssyncset.done $0x0  }
0x17: {  	s28 =	rddreg [dreg:$0x6];
	[sflag:s26] =	ssyncadd.s32 $0xFFFFF800  }
0x18: {  	[tilespmem:s19], [sflag:$0x1] =	stream.linear.gather [hbm4b:s28+s5], $0x4000, $0x38;
	[tilespmem:$0x18A00] =	vst v63  }
0x19: {  	s29 =	rddreg [dreg:$0x7]  }
0x1a: {  	[tilespmem:s20], [sflag:$0x2] =	stream.linear.gather [hbm4b:s29+s5], $0x4000, $0x38;
	[tilespmem:$0x18A00] =	vst v63  }
0x1b: {  	s30 =	rddreg [dreg:$0x8]  }
0x1c: {  	[tilespmem:s21], [sflag:$0x3] =	stream.linear.gather [hbm4b:s30+s5], $0x4000, $0x38;
	[tilespmem:$0x18A00] =	vst v63  }
0x1d: {  	[tilespmem:$0x800] =	vst v0  }
0x1e: {  	[tilespmem:$0x810] =	vst v0  }
0x1f: {  	[tilespmem:$0x820] =	vst v0  }
0x20: {  	[tilespmem:$0x830] =	vst v0  }
0x21: {  	[tilespmem:$0x840] =	vst v0  }
0x22: {  	[tilespmem:$0x850] =	vst v0  }
0x23: {  	[tilespmem:$0x860] =	vst v0  }
0x24: {  	[tilespmem:$0x870] =	vst v0  }
0x25: {  	[tilespmem:$0x880] =	vst v0  }
0x26: {  	[tilespmem:$0x890] =	vst v0  }
0x27: {  	[tilespmem:$0x8A0] =	vst v0  }
0x28: {  	[tilespmem:$0x8B0] =	vst v0  }
0x29: {  	[tilespmem:$0x8C0] =	vst v0  }
0x2a: {  	[tilespmem:$0x8D0] =	vst v0  }
0x2b: {  	[tilespmem:$0x8E0] =	vst v0  }
0x2c: {  	[tilespmem:$0x8F0] =	vst v0  }
0x2d: {  	[tilespmem:$0x900] =	vst v0  }
0x2e: {  	[tilespmem:$0x910] =	vst v0  }
0x2f: {  	[tilespmem:$0x920] =	vst v0  }
0x30: {  	[tilespmem:$0x930] =	vst v0  }
0x31: {  	[tilespmem:$0x940] =	vst v0  }
0x32: {  	[tilespmem:$0x950] =	vst v0  }
0x33: {  	[tilespmem:$0x960] =	vst v0  }
0x34: {  	[tilespmem:$0x970] =	vst v0  }
0x35: {  	[tilespmem:$0x980] =	vst v0  }
0x36: {  	[tilespmem:$0x990] =	vst v0  }
0x37: {  	[tilespmem:$0x9A0] =	vst v0  }
0x38: {  	[tilespmem:$0x9B0] =	vst v0  }
0x39: {  	[tilespmem:$0x9C0] =	vst v0  }
0x3a: {  	[tilespmem:$0x9D0] =	vst v0  }
0x3b: {  	[tilespmem:$0x9E0] =	vst v0  }
0x3c: {  	s2 =	simm.s32 $0x800;
	s31 =	rddreg [dreg:$0x9];
	[tilespmem:$0x9F0] =	vst v0  }
0x3d: {  	[hbm4b:s31+s5] =	stream.linear.scatter [tilespmem:s2], [sflag:$0x7], $0x200, $0x38;
	[tilespmem:$0x18A00] =	vst v63  }
0x3e: {  	_ =	swait.ge [sflag:s26], $0x200  }
0x3f: {  	[sflag:s26] =	ssyncset.done $0x0  }
0x40: {  	s3 =	simm.s32 $0x0;
	[sflag:s26] =	ssyncadd.s32 $0xFFFFFE00  }
.LBB2_2:
0x41: {  	s0 =	simm.s32 $0x1  }
0x42: {  	_ =	swait.ge [sflag:s0], $0x4000  }
0x43: {  	p0 =	seq.s32 s3, $0x0;
	[sflag:s0] =	ssyncset.done $0x0  }
0x44: {  	s1 =	simm.s32 $0x0;
	[sflag:s0] =	ssyncadd.s32 $0xFFFFC000;
	s0 =	simm.s32 @!p0 $0x4  }
0x45: {  	s2 =	sand.u32 $0x40, s1;
	_ =	swait.ge @!p0 [sflag:s0], $0x4000  }
0x46: {  	s4 =	sand.u32 $0x780, s1;
	s6 =	sor.u32 $0x30, s2;
	[sflag:s0] =	ssyncset.done @!p0 $0x0  }
0x47: {  	s25 =	sor.u32 s6, s4;
	[sflag:s0] =	ssyncadd.s32 @!p0 $0xFFFFC000  }
0x48: {  	v1 =	vld [tilespmem:s25+$0x0]  }
0x49: {  	s26 =	sor.u32 $0x10, s2;
	v2 =	vld [tilespmem:s1+$0x0]  }
0x4a: {  	s7 =	sor.u32 $0x20, s2;
	s8 =	sor.u32 s26, s4  }
0x4b: {  	s4 =	sor.u32 s7, s4;
	v3 =	vld [tilespmem:s8+$0x0]  }
0x4c: {  	v4 =	vld [tilespmem:s4+$0x0]  }
0x4d: {  	v5 =	vshll.u32 v1, $0x3  }
0x4e: {  	v6 =	vshll.u32 v2, $0x3;
	v1 =	vand.u32 $0x7F, v1;
	v5 =	vand.u32 $0xFFFFFC00, v5  }
0x4f: {  	v2 =	vand.u32 $0x7F, v2;
	v7 =	vand.u32 $0xFFFFFC00, v6;
	v6 =	vor.u32 v1, v5  }
0x50: {  	v1 =	vor.u32 v2, v7;
	v2 =	vshll.u32 v3, $0x3  }
0x51: {  	v5 =	vshll.u32 v4, $0x3;
	v3 =	vand.u32 $0x7F, v3;
	v2 =	vand.u32 $0xFFFFFC00, v2  }
0x52: {  	v7 =	vand.u32 $0xFFFFFC00, v5;
	v5 =	vor.u32 v3, v2;
	v2 =	vand.u32 $0x7F, v4  }
0x53: {  	v4 =	vor.u32 v2, v7  }
0x54: {  	v2 =	vld.idx.msk [tilespmem:v6+s19+$0x0], $0xffff  }
0x55: {  	v7 =	vor.u32 $0x80, v6;
	v3 =	vld.idx.msk [tilespmem:v1+s19+$0x0], $0xffff  }
0x56: {  	s1 =	sand.u32 $0x3C00, s1;
	v8 =	vor.u32 $0x80, v1  }
0x57: {  	s1 =	sadd.s32 $0xCA00, s1;
	v9 =	vld.idx.msk [tilespmem:v5+s19+$0x0], $0xffff  }
0x58: {  	s10 =	sor.u32 s6, s1;
	v10 =	vor.u32 $0x80, v5;
	v11 =	vld.idx.msk [tilespmem:v4+s19+$0x0], $0xffff  }
0x59: {  	s28 =	sor.u32 s2, s1;
	v12 =	vor.u32 $0x80, v4;
	[tilespmem:s10+$0x0] =	vst v2  }
0x5a: {  	[tilespmem:s28+$0x0] =	vst v3;
	v2 =	vld.idx.msk [tilespmem:v7+s19+$0x0], $0xffff  }
0x5b: {  	s11 =	sor.u32 s26, s1;
	v3 =	vld.idx.msk [tilespmem:v8+s19+$0x0], $0xffff;
	v7 =	vor.u32 $0x100, v6  }
0x5c: {  	s0 =	sor.u32 s7, s1;
	v8 =	vor.u32 $0x100, v1;
	[tilespmem:s11+$0x0] =	vst v9  }
0x5d: {  	v9 =	vld.idx.msk [tilespmem:v10+s19+$0x0], $0xffff;
	[tilespmem:s0+$0x0] =	vst v11  }
0x5e: {  	v10 =	vor.u32 $0x100, v5;
	v11 =	vld.idx.msk [tilespmem:v12+s19+$0x0], $0xffff  }
0x5f: {  	v12 =	vor.u32 $0x100, v4;
	[tilespmem:s10+$0x80] =	vst v2  }
0x60: {  	[tilespmem:s28+$0x80] =	vst v3;
	v2 =	vld.idx.msk [tilespmem:v7+s19+$0x0], $0xffff  }
0x61: {  	v3 =	vld.idx.msk [tilespmem:v8+s19+$0x0], $0xffff;
	v7 =	vor.u32 $0x180, v6  }
0x62: {  	v8 =	vor.u32 $0x180, v1;
	[tilespmem:s11+$0x80] =	vst v9  }
0x63: {  	v9 =	vld.idx.msk [tilespmem:v10+s19+$0x0], $0xffff;
	[tilespmem:s0+$0x80] =	vst v11  }
0x64: {  	s9 =	simm.s32 $0x40;
	v10 =	vor.u32 $0x180, v5;
	v11 =	vld.idx.msk [tilespmem:v12+s19+$0x0], $0xffff  }
0x65: {  	s1 =	sand.u32 $0x40, s9;
	v12 =	vld [tilespmem:s9+$0x0];
	[tilespmem:s10+$0x100] =	vst v2  }
0x66: {  	s16 =	sand.u32 $0x780, s9;
	s17 =	sor.u32 $0x30, s1;
	[tilespmem:s28+$0x100] =	vst v3;
	v2 =	vld.idx.msk [tilespmem:v7+s19+$0x0], $0xffff  }
0x67: {  	s18 =	sor.u32 s17, s16;
	v3 =	vor.u32 $0x180, v4;
	v7 =	vld.idx.msk [tilespmem:v8+s19+$0x0], $0xffff  }
0x68: {  	s22 =	sor.u32 $0x10, s1;
	v8 =	vor.u32 $0x200, v6;
	[tilespmem:s11+$0x100] =	vst v9;
	v9 =	vld [tilespmem:s18+$0x0]  }
0x69: {  	s23 =	sor.u32 $0x20, s1;
	s12 =	sor.u32 s22, s16;
	v10 =	vld.idx.msk [tilespmem:v10+s19+$0x0], $0xffff  }
0x6a: {  	s7 =	sor.u32 s23, s16;
	v14 =	vld [tilespmem:s12+$0x0];
	v13 =	vor.u32 $0x200, v5;
	v15 =	vshll.u32 v12, $0x3  }
0x6b: {  	v16 =	vld [tilespmem:s7+$0x0];
	[tilespmem:s0+$0x100] =	vst v11;
	v11 =	vor.u32 $0x200, v1;
	v12 =	vand.u32 $0x7F, v12;
	v15 =	vand.u32 $0xFFFFFC00, v15  }
0x6c: {  	p1 =	por $0x0, $0x0;
	s7 =	simm.s32 $0x1;
	v17 =	vld.idx.msk [tilespmem:v3+s19+$0x0], $0xffff;
	[tilespmem:s10+$0x180] =	vst v2;
	v2 =	vor.u32 v12, v15  }
0x6d: {  	s7 =	simm.s32 @!p1 $0x0;
	v12 =	vor.u32 $0x200, v4;
	v8 =	vld.idx.msk [tilespmem:v8+s19+$0x0], $0xffff;
	v3 =	vshll.u32 v9, $0x3  }
0x6e: {  	s7 =	sshll.u32 s7, $0x6;
	v9 =	vand.u32 $0x7F, v9;
	[tilespmem:s11+$0x180] =	vst v10;
	v3 =	vand.u32 $0xFFFFFC00, v3;
	v10 =	vor.u32 $0x280, v6  }
0x6f: {  	s6 =	sadd.s32 $0x0, s7;
	v15 =	vor.u32 $0x280, v5;
	[tilespmem:s28+$0x180] =	vst v7;
	v7 =	vld.idx.msk [tilespmem:v13+s19+$0x0], $0xffff;
	v13 =	vshll.u32 v14, $0x3;
	v3 =	vor.u32 v9, v3  }
0x70: {  	s7 =	sadd.s32 $0x30, s6;
	v9 =	vld.idx.msk [tilespmem:v11+s19+$0x0], $0xffff;
	v11 =	vshll.u32 v16, $0x3;
	v14 =	vand.u32 $0x7F, v14;
	v13 =	vand.u32 $0xFFFFFC00, v13  }
0x71: {  	s24 =	sor.u32 $0x200, s7;
	v11 =	vand.u32 $0xFFFFFC00, v11;
	[tilespmem:s0+$0x180] =	vst v17;
	v18 =	vld.idx.msk [tilespmem:v2+s19+$0x0], $0xffff;
	v22 =	vor.u32 v14, v13;
	v13 =	vand.u32 $0x7F, v16  }
0x72: {  	s4 =	sadd.s32 $0x10, s6;
	v12 =	vld.idx.msk [tilespmem:v12+s19+$0x0], $0xffff;
	v11 =	vor.u32 v13, v11;
	[tilespmem:s24+$0xCA00] =	vst v8  }
0x73: {  	s25 =	sor.u32 $0x200, s4;
	v8 =	vor.u32 $0x280, v1;
	v10 =	vld.idx.msk [tilespmem:v10+s19+$0x0], $0xffff  }
0x74: {  	s16 =	simm.s32 $0x200;
	s26 =	sor.u32 $0x200, s6;
	v13 =	vor.u32 $0x280, v4;
	v14 =	vld.idx.msk [tilespmem:v3+s19+$0x0], $0xffff;
	[tilespmem:s25+$0xCA00] =	vst v7  }
0x75: {  	s13 =	sand.u32 $0x3C00, s16;
	s11 =	sadd.s32 $0x20, s6;
	[tilespmem:s26+$0xCA00] =	vst v9;
	v9 =	vor.u32 $0x80, v2;
	v7 =	vld.idx.msk [tilespmem:v15+s19+$0x0], $0xffff  }
0x76: {  	s10 =	sadd.s32 $0xCA00, s13;
	s28 =	sor.u32 $0x200, s11;
	v15 =	vor.u32 $0x300, v6;
	v16 =	vld.idx.msk [tilespmem:v22+s19+$0x0], $0xffff  }
0x77: {  	v17 =	vor.u32 $0x80, v3;
	s26 =	sor.u32 s1, s10;
	[tilespmem:s28+$0xCA00] =	vst v12;
	v19 =	vld.idx.msk [tilespmem:v11+s19+$0x0], $0xffff  }
0x78: {  	s14 =	sor.u32 $0x280, s7;
	v20 =	vor.u32 $0x80, v22;
	[tilespmem:s26+$0x0] =	vst v18;
	v23 =	vld.idx.msk [tilespmem:v8+s19+$0x0], $0xffff  }
0x79: {  	s15 =	sor.u32 s17, s10;
	v8 =	vor.u32 $0x80, v11;
	v12 =	vld.idx.msk [tilespmem:v13+s19+$0x0], $0xffff;
	[tilespmem:s14+$0xCA00] =	vst v10  }
0x7a: {  	s17 =	sor.u32 $0x280, s4;
	v10 =	vor.u32 $0x300, v5;
	[tilespmem:s15+$0x0] =	vst v14;
	v9 =	vld.idx.msk [tilespmem:v9+s19+$0x0], $0xffff  }
0x7b: {  	s29 =	sor.u32 s22, s10;
	v14 =	vor.u32 $0x300, v4;
	v13 =	vld.idx.msk [tilespmem:v15+s19+$0x0], $0xffff;
	[tilespmem:s17+$0xCA00] =	vst v7  }
0x7c: {  	s1 =	sor.u32 s23, s10;
	v6 =	vor.u32 $0x380, v6;
	v17 =	vld.idx.msk [tilespmem:v17+s19+$0x0], $0xffff;
	[tilespmem:s29+$0x0] =	vst v16  }
0x7d: {  	s18 =	sor.u32 $0x280, s11;
	v18 =	vor.u32 $0x100, v3;
	v16 =	vld.idx.msk [tilespmem:v20+s19+$0x0], $0xffff;
	[tilespmem:s1+$0x0] =	vst v19  }
0x7e: {  	v20 =	vor.u32 $0x100, v2;
	[tilespmem:s18+$0xCA00] =	vst v12;
	v8 =	vld.idx.msk [tilespmem:v8+s19+$0x0], $0xffff  }
0x7f: {  	s22 =	sor.u32 $0x300, s7;
	v7 =	vor.u32 $0x100, v22;
	v24 =	vld.idx.msk [tilespmem:v10+s19+$0x0], $0xffff;
	[tilespmem:s26+$0x80] =	vst v9  }
0x80: {  	v21 =	vor.u32 $0x100, v11;
	v15 =	vld.idx.msk [tilespmem:v14+s19+$0x0], $0xffff;
	[tilespmem:s22+$0xCA00] =	vst v13  }
0x81: {  	[tilespmem:s15+$0x80] =	vst v17;
	v17 =	vor.u32 $0x300, v1;
	v25 =	vld.idx.msk [tilespmem:v6+s19+$0x0], $0xffff  }
0x82: {  	v26 =	vor.u32 $0x380, v5;
	v19 =	vld.idx.msk [tilespmem:v18+s19+$0x0], $0xffff;
	[tilespmem:s29+$0x80] =	vst v16  }
0x83: {  	s23 =	sor.u32 $0x280, s6;
	v5 =	vor.u32 $0x380, v22;
	v18 =	vld.idx.msk [tilespmem:v20+s19+$0x0], $0xffff;
	s0 =	rddreg [dreg:$0x5];
	[tilespmem:s1+$0x80] =	vst v8  }
0x84: {  	s31 =	simm.s32 $0x4;
	s8 =	smul.u32 $0x18, s3;
	s2 =	sor.u32 $0x300, s6;
	v12 =	vor.u32 $0x200, v22;
	v14 =	vor.u32 $0x180, v22;
	v20 =	vld.idx.msk [tilespmem:v7+s19+$0x0], $0xffff;
	[tilespmem:s23+$0xCA00] =	vst v23;
	v23 =	vor.u32 $0x180, v3  }
0x85: {  	s30 =	sor.u32 $0x380, s4;
	s24 =	sor.u32 $0x300, s11;
	s25 =	sor.u32 $0x300, s4;
	v9 =	vor.u32 $0x280, v22;
	v7 =	vor.u32 $0x300, v22;
	v22 =	vor.u32 $0x180, v2;
	v21 =	vld.idx.msk [tilespmem:v21+s19+$0x0], $0xffff  }
0x86: {  	s28 =	sor.u32 $0x380, s7;
	s7 =	sor.u32 $0x380, s11;
	v4 =	vor.u32 $0x380, v4;
	s17 =	sor.u32 $0x380, s6;
	v10 =	vor.u32 $0x200, v11;
	v13 =	vor.u32 $0x180, v11;
	[tilespmem:s25+$0xCA00] =	vst v24;
	v16 =	vld.idx.msk [tilespmem:v17+s19+$0x0], $0xffff  }
0x87: {  	s18 =	simm.s32 $0x80;
	s22 =	smul.u32 $0x3, s3;
	v6 =	vor.u32 $0x300, v11;
	v8 =	vor.u32 $0x280, v11;
	v11 =	vor.u32 $0x380, v11;
	s10 =	sadd.s32 s0, s8;
	v17 =	vld.idx.msk [tilespmem:v26+s19+$0x0], $0xffff;
	[tilespmem:s28+$0xCA00] =	vst v25  }
.LBB2_3:
0x88: {  	v24 =	vld [tilespmem:s18+$0x0];
	[tilespmem:s15+$0x100] =	vst v19;
	s9 =	sadd.s32 $0x40, s9  }
0x89: {  	s31 =	sadd.s32 $0x4, s31;
	s6 =	sand.u32 $0x40, s9;
	[tilespmem:s26+$0x100] =	vst v18;
	v18 =	vld.idx.msk [tilespmem:v23+s19+$0x0], $0xffff  }
0x8a: {  	s0 =	sand.u32 $0x780, s9;
	p2 =	slt.u32 s31, $0x7C;
	s11 =	sor.u32 $0x30, s6;
	v19 =	vld.idx.msk [tilespmem:v22+s19+$0x0], $0xffff;
	[tilespmem:s29+$0x100] =	vst v20  }
0x8b: {  	s13 =	sor.u32 $0x10, s6;
	s12 =	sor.u32 $0x20, s6;
	v20 =	vor.u32 $0x200, v3;
	s4 =	sor.u32 s11, s0;
	v14 =	vld.idx.msk [tilespmem:v14+s19+$0x0], $0xffff;
	[tilespmem:s1+$0x100] =	vst v21  }
0x8c: {  	v22 =	vor.u32 $0x200, v2;
	s14 =	sor.u32 s13, s0;
	s0 =	sor.u32 s12, s0;
	v21 =	vld [tilespmem:s4+$0x0];
	[tilespmem:s24+$0xCA00] =	vst v15  }
0x8d: {  	v15 =	vld [tilespmem:s14+$0x0];
	[tilespmem:s2+$0xCA00] =	vst v16  }
0x8e: {  	v16 =	vshll.u32 v24, $0x3;
	v23 =	vld [tilespmem:s0+$0x0];
	[tilespmem:s30+$0xCA00] =	vst v17  }
0x8f: {  	v17 =	vand.u32 $0x7F, v24;
	v16 =	vand.u32 $0xFFFFFC00, v16;
	v13 =	vld.idx.msk [tilespmem:v13+s19+$0x0], $0xffff;
	[tilespmem:s15+$0x180] =	vst v18;
	v18 =	vor.u32 $0x380, v1;
	v1 =	vmovc v2  }
0x90: {  	p1 =	por !p1, !p1;
	s0 =	simm.s32 $0x1;
	v2 =	vor.u32 v17, v16;
	[tilespmem:s26+$0x180] =	vst v19;
	v16 =	vld.idx.msk [tilespmem:v20+s19+$0x0], $0xffff  }
0x91: {  	s0 =	simm.s32 @!p1 $0x0;
	v17 =	vshll.u32 v21, $0x3;
	v19 =	vld.idx.msk [tilespmem:v22+s19+$0x0], $0xffff;
	[tilespmem:s29+$0x180] =	vst v14  }
0x92: {  	s0 =	sshll.u32 s0, $0x6;
	v14 =	vand.u32 $0x7F, v21;
	v17 =	vand.u32 $0xFFFFFC00, v17;
	v20 =	vld.idx.msk [tilespmem:v12+s19+$0x0], $0xffff;
	v12 =	vor.u32 $0x280, v3  }
0x93: {  	s15 =	sadd.s32 s0, s16;
	v21 =	vshll.u32 v15, $0x3;
	v22 =	vshll.u32 v23, $0x3;
	v17 =	vor.u32 v14, v17;
	v24 =	vld.idx.msk [tilespmem:v4+s19+$0x0], $0xffff;
	v4 =	vmovc v11  }
0x94: {  	s26 =	sadd.s32 $0x10, s15;
	s29 =	sadd.s32 $0x20, s15;
	s14 =	sadd.s32 $0x30, s15;
	v11 =	vand.u32 $0x7F, v15;
	v14 =	vand.u32 $0xFFFFFC00, v21;
	v15 =	vand.u32 $0xFFFFFC00, v22;
	v18 =	vld.idx.msk [tilespmem:v18+s19+$0x0], $0xffff  }
0x95: {  	s30 =	sor.u32 $0x200, s26;
	s0 =	sor.u32 $0x200, s14;
	v11 =	vor.u32 v11, v14;
	v14 =	vand.u32 $0x7F, v23;
	v22 =	vor.u32 $0x280, v1;
	v21 =	vld.idx.msk [tilespmem:v2+s19+$0x0], $0xffff;
	[tilespmem:s1+$0x180] =	vst v13;
	s1 =	sor.u32 $0x200, s29  }
0x96: {  	s2 =	sor.u32 $0x200, s15;
	s28 =	sor.u32 $0x280, s26;
	s25 =	sor.u32 $0x280, s29;
	v23 =	vor.u32 $0x80, v11;
	v25 =	vor.u32 $0x100, v11;
	v15 =	vor.u32 v14, v15;
	v26 =	vld.idx.msk [tilespmem:v10+s19+$0x0], $0xffff;
	[tilespmem:s0+$0xCA00] =	vst v16  }
0x97: {  	s4 =	sor.u32 $0x280, s15;
	s24 =	sor.u32 $0x300, s29;
	v14 =	vor.u32 $0x180, v11;
	v16 =	vor.u32 $0x80, v15;
	v27 =	vor.u32 $0x100, v15;
	s0 =	sor.u32 $0x300, s26;
	[tilespmem:s2+$0xCA00] =	vst v19;
	v19 =	vld.idx.msk [tilespmem:v12+s19+$0x0], $0xffff  }
0x98: {  	v13 =	vor.u32 $0x180, v15;
	v10 =	vor.u32 $0x200, v15;
	v12 =	vor.u32 $0x200, v11;
	s2 =	sor.u32 $0x300, s15;
	v28 =	vld.idx.msk [tilespmem:v17+s19+$0x0], $0xffff;
	[tilespmem:s30+$0xCA00] =	vst v20;
	s30 =	sor.u32 $0x380, s26;
	s26 =	sor.u32 $0x380, s29  }
0x99: {  	v30 =	vor.u32 $0x300, v3;
	s15 =	sor.u32 $0x380, s15;
	v20 =	vor.u32 $0x280, v15;
	v29 =	vld.idx.msk [tilespmem:v9+s19+$0x0], $0xffff;
	v9 =	vor.u32 $0x280, v11;
	[tilespmem:s7+$0xCA00] =	vst v24;
	s7 =	smov.u32 s26  }
0x9a: {  	s16 =	sadd.s32 $0x200, s16;
	v33 =	vor.u32 $0x80, v17;
	v31 =	vor.u32 $0x300, v11;
	v32 =	vor.u32 $0x300, v15;
	v24 =	vld.idx.msk [tilespmem:v11+s19+$0x0], $0xffff;
	[tilespmem:s17+$0xCA00] =	vst v18;
	s17 =	smov.u32 s15  }
0x9b: {  	v34 =	vor.u32 $0x380, v11;
	s15 =	sand.u32 $0x3C00, s16;
	v18 =	vor.u32 $0x80, v2;
	v11 =	vor.u32 $0x380, v15;
	v35 =	vld.idx.msk [tilespmem:v15+s19+$0x0], $0xffff  }
0x9c: {  	s23 =	sadd.s32 $0xCA00, s15;
	v36 =	vld.idx.msk [tilespmem:v22+s19+$0x0], $0xffff;
	[tilespmem:s1+$0xCA00] =	vst v26;
	s1 =	sor.u32 $0x280, s14  }
0x9d: {  	s26 =	sor.u32 s6, s23;
	s29 =	sor.u32 s13, s23;
	s15 =	sor.u32 s11, s23;
	v15 =	vld.idx.msk [tilespmem:v8+s19+$0x0], $0xffff;
	[tilespmem:s1+$0xCA00] =	vst v19;
	v8 =	vmov v20  }
0x9e: {  	s1 =	sor.u32 s12, s23;
	[tilespmem:s15+$0x0] =	vst v28;
	v19 =	vld.idx.msk [tilespmem:v30+s19+$0x0], $0xffff  }
0x9f: {  	[tilespmem:s26+$0x0] =	vst v21;
	v20 =	vld.idx.msk [tilespmem:v33+s19+$0x0], $0xffff  }
0xa0: {  	v21 =	vor.u32 $0x380, v3;
	v3 =	vmov v17;
	v18 =	vld.idx.msk [tilespmem:v18+s19+$0x0], $0xffff;
	[tilespmem:s29+$0x0] =	vst v24  }
0xa1: {  	v22 =	vor.u32 $0x100, v3;
	v17 =	vld.idx.msk [tilespmem:v23+s19+$0x0], $0xffff;
	[tilespmem:s1+$0x0] =	vst v35  }
0xa2: {  	v23 =	vor.u32 $0x100, v2;
	v16 =	vld.idx.msk [tilespmem:v16+s19+$0x0], $0xffff;
	[tilespmem:s28+$0xCA00] =	vst v29  }
0xa3: {  	s6 =	sor.u32 $0x300, s14;
	v24 =	vld.idx.msk [tilespmem:v7+s19+$0x0], $0xffff;
	[tilespmem:s25+$0xCA00] =	vst v15;
	v7 =	vmov v31  }
0xa4: {  	v15 =	vld.idx.msk [tilespmem:v6+s19+$0x0], $0xffff;
	[tilespmem:s6+$0xCA00] =	vst v19;
	v6 =	vmov v32  }
0xa5: {  	v26 =	vor.u32 $0x300, v1;
	[tilespmem:s15+$0x80] =	vst v20;
	v28 =	vld.idx.msk [tilespmem:v21+s19+$0x0], $0xffff  }
0xa6: {  	[tilespmem:s26+$0x80] =	vst v18;
	v19 =	vld.idx.msk [tilespmem:v22+s19+$0x0], $0xffff  }
.Ltmp0:
0xa7: {  	v18 =	vld.idx.msk [tilespmem:v23+s19+$0x0], $0xffff;
	[tilespmem:s29+$0x80] =	vst v17;
	(pc) =	sbr.rel @p2 .LBB2_3-.Ltmp0, $4  }
0xa8: {  	v23 =	vor.u32 $0x180, v3;
	v20 =	vld.idx.msk [tilespmem:v25+s19+$0x0], $0xffff;
	[tilespmem:s1+$0x80] =	vst v16  }
0xa9: {  	v22 =	vor.u32 $0x180, v2;
	v21 =	vld.idx.msk [tilespmem:v27+s19+$0x0], $0xffff;
	[tilespmem:s4+$0xCA00] =	vst v36  }
0xaa: {  	v16 =	vld.idx.msk [tilespmem:v26+s19+$0x0], $0xffff;
	[tilespmem:s0+$0xCA00] =	vst v24;
	s0 =	sor.u32 $0x380, s14  }
0xab: {  	s18 =	sadd.s32 $0x40, s18;
	v17 =	vld.idx.msk [tilespmem:v5+s19+$0x0], $0xffff;
	[tilespmem:s0+$0xCA00] =	vst v28;
	v5 =	vmov v34  }
0xac: {  	_ =	sdelay $0x2  }
0xad: {  	[tilespmem:s15+$0x100] =	vst v19  }
0xae: {  	v19 =	vld.idx.msk [tilespmem:v23+s19+$0x0], $0xffff;
	[tilespmem:s29+$0x100] =	vst v20  }
0xaf: {  	[tilespmem:s26+$0x100] =	vst v18;
	v20 =	vor.u32 $0x200, v3;
	v14 =	vld.idx.msk [tilespmem:v14+s19+$0x0], $0xffff  }
0xb0: {  	v18 =	vld.idx.msk [tilespmem:v22+s19+$0x0], $0xffff;
	[tilespmem:s1+$0x100] =	vst v21  }
0xb1: {  	v21 =	vor.u32 $0x200, v2;
	v13 =	vld.idx.msk [tilespmem:v13+s19+$0x0], $0xffff;
	_ =	sdelay $0x1  }
0xb2: {  	p1 =	por !p1, !p1;
	s0 =	simm.s32 $0x1;
	[tilespmem:s15+$0x180] =	vst v19  }
0xb3: {  	s0 =	simm.s32 @!p1 $0x0;
	v19 =	vld.idx.msk [tilespmem:v20+s19+$0x0], $0xffff;
	[tilespmem:s29+$0x180] =	vst v14  }
0xb4: {  	s0 =	sshll.u32 s0, $0x6;
	[tilespmem:s26+$0x180] =	vst v18;
	v14 =	vor.u32 $0x280, v3;
	v12 =	vld.idx.msk [tilespmem:v12+s19+$0x0], $0xffff  }
0xb5: {  	s0 =	sadd.s32 s0, s16;
	[tilespmem:s1+$0x180] =	vst v13;
	v13 =	vld.idx.msk [tilespmem:v21+s19+$0x0], $0xffff  }
0xb6: {  	s26 =	sadd.s32 $0x30, s0;
	v18 =	vor.u32 $0x280, v2;
	v10 =	vld.idx.msk [tilespmem:v10+s19+$0x0], $0xffff  }
0xb7: {  	s4 =	sadd.s32 $0x10, s0;
	s6 =	sor.u32 $0x200, s26  }
0xb8: {  	s11 =	sor.u32 $0x200, s4;
	[tilespmem:s6+$0xCA00] =	vst v19  }
0xb9: {  	s9 =	sadd.s32 $0x20, s0;
	s12 =	sor.u32 $0x200, s0;
	v14 =	vld.idx.msk [tilespmem:v14+s19+$0x0], $0xffff;
	[tilespmem:s11+$0xCA00] =	vst v12  }
0xba: {  	s28 =	sor.u32 $0x200, s9;
	v12 =	vor.u32 $0x300, v3;
	[tilespmem:s12+$0xCA00] =	vst v13;
	v9 =	vld.idx.msk [tilespmem:v9+s19+$0x0], $0xffff  }
0xbb: {  	[tilespmem:s28+$0xCA00] =	vst v10;
	v10 =	vld.idx.msk [tilespmem:v18+s19+$0x0], $0xffff  }
0xbc: {  	v13 =	vor.u32 $0x300, v2;
	v8 =	vld.idx.msk [tilespmem:v8+s19+$0x0], $0xffff  }
0xbd: {  	[tilespmem:s24+$0xCA00] =	vst v15;
	s13 =	sor.u32 $0x280, s26  }
0xbe: {  	s14 =	sor.u32 $0x280, s4;
	[tilespmem:s13+$0xCA00] =	vst v14  }
0xbf: {  	v1 =	vor.u32 $0x380, v1;
	s16 =	sor.u32 $0x280, s0;
	v12 =	vld.idx.msk [tilespmem:v12+s19+$0x0], $0xffff;
	[tilespmem:s14+$0xCA00] =	vst v9  }
0xc0: {  	s15 =	sor.u32 $0x280, s9;
	v3 =	vor.u32 $0x380, v3;
	[tilespmem:s16+$0xCA00] =	vst v10;
	v7 =	vld.idx.msk [tilespmem:v7+s19+$0x0], $0xffff  }
0xc1: {  	[tilespmem:s15+$0xCA00] =	vst v8;
	v8 =	vld.idx.msk [tilespmem:v13+s19+$0x0], $0xffff  }
0xc2: {  	[tilespmem:s2+$0xCA00] =	vst v16;
	v2 =	vor.u32 $0x380, v2;
	v6 =	vld.idx.msk [tilespmem:v6+s19+$0x0], $0xffff  }
0xc3: {  	v4 =	vld.idx.msk [tilespmem:v4+s19+$0x0], $0xffff;
	[tilespmem:s30+$0xCA00] =	vst v17;
	s18 =	sor.u32 $0x300, s26  }
0xc4: {  	v1 =	vld.idx.msk [tilespmem:v1+s19+$0x0], $0xffff;
	s23 =	sor.u32 $0x300, s4;
	[tilespmem:s18+$0xCA00] =	vst v12  }
0xc5: {  	s25 =	sor.u32 $0x300, s0;
	v3 =	vld.idx.msk [tilespmem:v3+s19+$0x0], $0xffff;
	[tilespmem:s23+$0xCA00] =	vst v7  }
0xc6: {  	s24 =	sor.u32 $0x300, s9;
	[tilespmem:s25+$0xCA00] =	vst v8;
	v5 =	vld.idx.msk [tilespmem:v5+s19+$0x0], $0xffff  }
0xc7: {  	[tilespmem:s24+$0xCA00] =	vst v6;
	v2 =	vld.idx.msk [tilespmem:v2+s19+$0x0], $0xffff  }
0xc8: {  	[tilespmem:s7+$0xCA00] =	vst v4;
	v6 =	vld.idx.msk [tilespmem:v11+s19+$0x0], $0xffff  }
0xc9: {  	s1 =	sor.u32 $0x380, s26;
	[tilespmem:s17+$0xCA00] =	vst v1  }
0xca: {  	s26 =	sor.u32 $0x380, s4;
	[tilespmem:s1+$0xCA00] =	vst v3  }
0xcb: {  	s0 =	sor.u32 $0x380, s0;
	[tilespmem:s26+$0xCA00] =	vst v5  }
0xcc: {  	s4 =	sshll.u32 s10, $0x8;
	s6 =	rddreg [dreg:$0x2];
	s28 =	sor.u32 $0x380, s9;
	[tilespmem:s0+$0xCA00] =	vst v2  }
0xcd: {  	s7 =	simm.s32 $0xCA00;
	s0 =	sadd.s32 s6, s4;
	[tilespmem:s28+$0xCA00] =	vst v6  }
0xce: {  	[hbm4b:s0+s5] =	stream.linear.scatter [tilespmem:s7], [sflag:$0x4], $0x4000, $0x38;
	[tilespmem:$0x18A00] =	vst v63  }
0xcf: {  	s9 =	rddreg [dreg:$0xa]  }
0xd0: {  	s0 =	sadd.s32 s22, s9  }
0xd1: {  	s10 =	rddreg [dreg:$0x0];
	s0 =	sshll.u32 s0, $0xB  }
0xd2: {  	s11 =	simm.s32 $0x2;
	s0 =	sadd.s32 s10, s0  }
0xd3: {  	[tilespmem:s19], [sflag:$0x1] =	stream.linear.gather [hbm4b:s0+s5], $0x4000, $0x38;
	[tilespmem:$0x18A00] =	vst v63  }
0xd4: {  	_ =	swait.ge [sflag:s11], $0x4000  }
0xd5: {  	[sflag:s11] =	ssyncset.done $0x0  }
0xd6: {  	s12 =	simm.s32 $0x0;
	s0 =	simm.s32 @!p0 $0x5;
	[sflag:s11] =	ssyncadd.s32 $0xFFFFC000  }
0xd7: {  	s13 =	sand.u32 $0x40, s12;
	_ =	swait.ge @!p0 [sflag:s0], $0x4000  }
0xd8: {  	s14 =	sand.u32 $0x780, s12;
	s15 =	sor.u32 $0x30, s13;
	[sflag:s0] =	ssyncset.done @!p0 $0x0  }
0xd9: {  	s16 =	sor.u32 s15, s14;
	[sflag:s0] =	ssyncadd.s32 @!p0 $0xFFFFC000  }
0xda: {  	v1 =	vld [tilespmem:s16+$0x0]  }
0xdb: {  	s17 =	sor.u32 $0x10, s13;
	v2 =	vld [tilespmem:s12+$0x0]  }
0xdc: {  	s18 =	sor.u32 $0x20, s13;
	s23 =	sor.u32 s17, s14  }
0xdd: {  	s4 =	sor.u32 s18, s14;
	v3 =	vld [tilespmem:s23+$0x0]  }
0xde: {  	v4 =	vld [tilespmem:s4+$0x0]  }
0xdf: {  	v5 =	vshll.u32 v1, $0x3  }
0xe0: {  	v6 =	vshll.u32 v2, $0x3;
	v1 =	vand.u32 $0x7F, v1;
	v5 =	vand.u32 $0xFFFFFC00, v5  }
0xe1: {  	v2 =	vand.u32 $0x7F, v2;
	v7 =	vand.u32 $0xFFFFFC00, v6;
	v6 =	vor.u32 v1, v5  }
0xe2: {  	v1 =	vor.u32 v2, v7;
	v2 =	vshll.u32 v3, $0x3  }
0xe3: {  	v5 =	vshll.u32 v4, $0x3;
	v3 =	vand.u32 $0x7F, v3;
	v2 =	vand.u32 $0xFFFFFC00, v2  }
0xe4: {  	v7 =	vand.u32 $0xFFFFFC00, v5;
	v5 =	vor.u32 v3, v2;
	v2 =	vand.u32 $0x7F, v4  }
0xe5: {  	v4 =	vor.u32 v2, v7  }
0xe6: {  	v2 =	vld.idx.msk [tilespmem:v6+s20+$0x0], $0xffff  }
0xe7: {  	v7 =	vor.u32 $0x80, v6;
	v3 =	vld.idx.msk [tilespmem:v1+s20+$0x0], $0xffff  }
0xe8: {  	s1 =	sand.u32 $0x3C00, s12;
	v8 =	vor.u32 $0x80, v1  }
0xe9: {  	s1 =	sadd.s32 $0x10A00, s1;
	v9 =	vld.idx.msk [tilespmem:v5+s20+$0x0], $0xffff  }
0xea: {  	s24 =	sor.u32 s15, s1;
	v10 =	vor.u32 $0x80, v5;
	v11 =	vld.idx.msk [tilespmem:v4+s20+$0x0], $0xffff  }
0xeb: {  	s25 =	sor.u32 s13, s1;
	v12 =	vor.u32 $0x80, v4;
	[tilespmem:s24+$0x0] =	vst v2  }
0xec: {  	[tilespmem:s25+$0x0] =	vst v3;
	v2 =	vld.idx.msk [tilespmem:v7+s20+$0x0], $0xffff  }
0xed: {  	s12 =	sor.u32 s17, s1;
	v3 =	vld.idx.msk [tilespmem:v8+s20+$0x0], $0xffff;
	v7 =	vor.u32 $0x100, v6  }
0xee: {  	s26 =	sor.u32 s18, s1;
	v8 =	vor.u32 $0x100, v1;
	[tilespmem:s12+$0x0] =	vst v9  }
0xef: {  	v9 =	vld.idx.msk [tilespmem:v10+s20+$0x0], $0xffff;
	[tilespmem:s26+$0x0] =	vst v11  }
0xf0: {  	v10 =	vor.u32 $0x100, v5;
	v11 =	vld.idx.msk [tilespmem:v12+s20+$0x0], $0xffff  }
0xf1: {  	v12 =	vor.u32 $0x100, v4;
	[tilespmem:s24+$0x80] =	vst v2  }
0xf2: {  	[tilespmem:s25+$0x80] =	vst v3;
	v2 =	vld.idx.msk [tilespmem:v7+s20+$0x0], $0xffff  }
0xf3: {  	v3 =	vld.idx.msk [tilespmem:v8+s20+$0x0], $0xffff;
	v7 =	vor.u32 $0x180, v6  }
0xf4: {  	v8 =	vor.u32 $0x180, v1;
	[tilespmem:s12+$0x80] =	vst v9  }
0xf5: {  	v9 =	vld.idx.msk [tilespmem:v10+s20+$0x0], $0xffff;
	[tilespmem:s26+$0x80] =	vst v11  }
0xf6: {  	s9 =	simm.s32 $0x40;
	v10 =	vor.u32 $0x180, v5;
	v11 =	vld.idx.msk [tilespmem:v12+s20+$0x0], $0xffff  }
0xf7: {  	s0 =	sand.u32 $0x40, s9;
	v12 =	vld [tilespmem:s9+$0x0];
	[tilespmem:s24+$0x100] =	vst v2  }
0xf8: {  	s28 =	sand.u32 $0x780, s9;
	s1 =	sor.u32 $0x30, s0;
	[tilespmem:s25+$0x100] =	vst v3;
	v2 =	vld.idx.msk [tilespmem:v7+s20+$0x0], $0xffff  }
0xf9: {  	s13 =	sor.u32 s1, s28;
	v3 =	vor.u32 $0x180, v4;
	v7 =	vld.idx.msk [tilespmem:v8+s20+$0x0], $0xffff  }
0xfa: {  	s14 =	sor.u32 $0x10, s0;
	v8 =	vor.u32 $0x200, v6;
	[tilespmem:s12+$0x100] =	vst v9;
	v9 =	vld [tilespmem:s13+$0x0]  }
0xfb: {  	s17 =	sor.u32 $0x20, s0;
	s13 =	sor.u32 s14, s28;
	v10 =	vld.idx.msk [tilespmem:v10+s20+$0x0], $0xffff  }
0xfc: {  	s7 =	sor.u32 s17, s28;
	v13 =	vor.u32 $0x200, v5;
	v14 =	vld [tilespmem:s13+$0x0];
	v15 =	vshll.u32 v12, $0x3  }
0xfd: {  	v16 =	vld [tilespmem:s7+$0x0];
	[tilespmem:s26+$0x100] =	vst v11;
	v11 =	vor.u32 $0x200, v1;
	v12 =	vand.u32 $0x7F, v12;
	v15 =	vand.u32 $0xFFFFFC00, v15  }
0xfe: {  	p1 =	por $0x0, $0x0;
	s7 =	simm.s32 $0x1;
	v17 =	vld.idx.msk [tilespmem:v3+s20+$0x0], $0xffff;
	[tilespmem:s24+$0x180] =	vst v2;
	v2 =	vor.u32 v12, v15  }
0xff: {  	s7 =	simm.s32 @!p1 $0x0;
	v12 =	vor.u32 $0x200, v4;
	v8 =	vld.idx.msk [tilespmem:v8+s20+$0x0], $0xffff;
	v3 =	vshll.u32 v9, $0x3  }
0x100: {  	s7 =	sshll.u32 s7, $0x6;
	v9 =	vand.u32 $0x7F, v9;
	[tilespmem:s12+$0x180] =	vst v10;
	v3 =	vand.u32 $0xFFFFFC00, v3;
	v10 =	vor.u32 $0x280, v6  }
0x101: {  	s6 =	sadd.s32 $0x0, s7;
	v15 =	vor.u32 $0x280, v5;
	[tilespmem:s25+$0x180] =	vst v7;
	v7 =	vld.idx.msk [tilespmem:v13+s20+$0x0], $0xffff;
	v13 =	vshll.u32 v14, $0x3;
	v3 =	vor.u32 v9, v3  }
0x102: {  	s7 =	sadd.s32 $0x30, s6;
	v9 =	vld.idx.msk [tilespmem:v11+s20+$0x0], $0xffff;
	v11 =	vshll.u32 v16, $0x3;
	v14 =	vand.u32 $0x7F, v14;
	v13 =	vand.u32 $0xFFFFFC00, v13  }
0x103: {  	s18 =	sor.u32 $0x200, s7;
	v11 =	vand.u32 $0xFFFFFC00, v11;
	[tilespmem:s26+$0x180] =	vst v17;
	v18 =	vld.idx.msk [tilespmem:v2+s20+$0x0], $0xffff;
	v22 =	vor.u32 v14, v13;
	v13 =	vand.u32 $0x7F, v16  }
0x104: {  	s4 =	sadd.s32 $0x10, s6;
	v12 =	vld.idx.msk [tilespmem:v12+s20+$0x0], $0xffff;
	v11 =	vor.u32 v13, v11;
	[tilespmem:s18+$0x10A00] =	vst v8  }
0x105: {  	s23 =	sor.u32 $0x200, s4;
	v8 =	vor.u32 $0x280, v1;
	v10 =	vld.idx.msk [tilespmem:v10+s20+$0x0], $0xffff  }
0x106: {  	s16 =	simm.s32 $0x200;
	s24 =	sor.u32 $0x200, s6;
	v13 =	vor.u32 $0x280, v4;
	v14 =	vld.idx.msk [tilespmem:v3+s20+$0x0], $0xffff;
	[tilespmem:s23+$0x10A00] =	vst v7  }
0x107: {  	s11 =	sadd.s32 $0x20, s6;
	s26 =	sand.u32 $0x3C00, s16;
	[tilespmem:s24+$0x10A00] =	vst v9;
	v9 =	vor.u32 $0x80, v2;
	v7 =	vld.idx.msk [tilespmem:v15+s20+$0x0], $0xffff  }
0x108: {  	s25 =	sor.u32 $0x200, s11;
	s12 =	sadd.s32 $0x10A00, s26;
	v15 =	vor.u32 $0x300, v6;
	v16 =	vld.idx.msk [tilespmem:v22+s20+$0x0], $0xffff  }
0x109: {  	v17 =	vor.u32 $0x80, v3;
	s26 =	sor.u32 s0, s12;
	[tilespmem:s25+$0x10A00] =	vst v12;
	v19 =	vld.idx.msk [tilespmem:v11+s20+$0x0], $0xffff  }
0x10a: {  	s28 =	sor.u32 $0x280, s7;
	v20 =	vor.u32 $0x80, v22;
	[tilespmem:s26+$0x0] =	vst v18;
	v8 =	vld.idx.msk [tilespmem:v8+s20+$0x0], $0xffff  }
0x10b: {  	s15 =	sor.u32 s1, s12;
	v12 =	vor.u32 $0x80, v11;
	v13 =	vld.idx.msk [tilespmem:v13+s20+$0x0], $0xffff;
	[tilespmem:s28+$0x10A00] =	vst v10  }
0x10c: {  	s24 =	sor.u32 s14, s12;
	s14 =	sor.u32 $0x280, s4;
	v10 =	vor.u32 $0x300, v5;
	[tilespmem:s15+$0x0] =	vst v14;
	v9 =	vld.idx.msk [tilespmem:v9+s20+$0x0], $0xffff  }
0x10d: {  	v14 =	vld.idx.msk [tilespmem:v15+s20+$0x0], $0xffff;
	v15 =	vor.u32 $0x300, v4;
	[tilespmem:s14+$0x10A00] =	vst v7  }
0x10e: {  	s1 =	sor.u32 s17, s12;
	v6 =	vor.u32 $0x380, v6;
	v17 =	vld.idx.msk [tilespmem:v17+s20+$0x0], $0xffff;
	[tilespmem:s24+$0x0] =	vst v16  }
0x10f: {  	s17 =	sor.u32 $0x280, s11;
	v18 =	vor.u32 $0x100, v3;
	v16 =	vld.idx.msk [tilespmem:v20+s20+$0x0], $0xffff;
	[tilespmem:s1+$0x0] =	vst v19  }
0x110: {  	v20 =	vor.u32 $0x100, v2;
	[tilespmem:s17+$0x10A00] =	vst v13;
	v21 =	vld.idx.msk [tilespmem:v12+s20+$0x0], $0xffff  }
0x111: {  	s18 =	sor.u32 $0x300, s7;
	v7 =	vor.u32 $0x100, v22;
	v23 =	vld.idx.msk [tilespmem:v10+s20+$0x0], $0xffff;
	[tilespmem:s26+$0x80] =	vst v9  }
0x112: {  	v24 =	vor.u32 $0x100, v11;
	v15 =	vld.idx.msk [tilespmem:v15+s20+$0x0], $0xffff;
	[tilespmem:s18+$0x10A00] =	vst v14  }
0x113: {  	[tilespmem:s15+$0x80] =	vst v17;
	v17 =	vor.u32 $0x300, v1;
	v25 =	vld.idx.msk [tilespmem:v6+s20+$0x0], $0xffff  }
0x114: {  	v26 =	vor.u32 $0x380, v5;
	v19 =	vld.idx.msk [tilespmem:v18+s20+$0x0], $0xffff;
	[tilespmem:s24+$0x80] =	vst v16  }
0x115: {  	s25 =	sor.u32 $0x300, s4;
	v5 =	vor.u32 $0x380, v22;
	v18 =	vld.idx.msk [tilespmem:v20+s20+$0x0], $0xffff;
	s0 =	rddreg [dreg:$0xb];
	[tilespmem:s1+$0x80] =	vst v21  }
0x116: {  	s23 =	sor.u32 $0x280, s6;
	v12 =	vor.u32 $0x200, v22;
	v9 =	vor.u32 $0x280, v22;
	v20 =	vld.idx.msk [tilespmem:v7+s20+$0x0], $0xffff;
	[tilespmem:s25+$0x10A00] =	vst v23;
	v23 =	vor.u32 $0x180, v3  }
0x117: {  	s31 =	simm.s32 $0x4;
	s2 =	sor.u32 $0x300, s6;
	s29 =	sor.u32 $0x300, s11;
	v14 =	vor.u32 $0x180, v22;
	[tilespmem:s23+$0x10A00] =	vst v8;
	v7 =	vor.u32 $0x300, v22;
	v22 =	vor.u32 $0x180, v2;
	v21 =	vld.idx.msk [tilespmem:v24+s20+$0x0], $0xffff  }
0x118: {  	s30 =	sor.u32 $0x380, s4;
	s28 =	sor.u32 $0x380, s7;
	s7 =	sor.u32 $0x380, s11;
	v4 =	vor.u32 $0x380, v4;
	v13 =	vor.u32 $0x180, v11;
	v10 =	vor.u32 $0x200, v11;
	v16 =	vld.idx.msk [tilespmem:v17+s20+$0x0], $0xffff  }
0x119: {  	s17 =	sor.u32 $0x380, s6;
	s18 =	simm.s32 $0x80;
	v6 =	vor.u32 $0x300, v11;
	v8 =	vor.u32 $0x280, v11;
	v11 =	vor.u32 $0x380, v11;
	s10 =	sadd.s32 s8, s0;
	v17 =	vld.idx.msk [tilespmem:v26+s20+$0x0], $0xffff;
	[tilespmem:s28+$0x10A00] =	vst v25  }
.LBB2_5:
0x11a: {  	v24 =	vld [tilespmem:s18+$0x0];
	[tilespmem:s15+$0x100] =	vst v19;
	s9 =	sadd.s32 $0x40, s9  }
0x11b: {  	s31 =	sadd.s32 $0x4, s31;
	s6 =	sand.u32 $0x40, s9;
	[tilespmem:s26+$0x100] =	vst v18;
	v18 =	vld.idx.msk [tilespmem:v23+s20+$0x0], $0xffff  }
0x11c: {  	s0 =	sand.u32 $0x780, s9;
	p2 =	slt.u32 s31, $0x7C;
	s11 =	sor.u32 $0x30, s6;
	v19 =	vld.idx.msk [tilespmem:v22+s20+$0x0], $0xffff;
	[tilespmem:s24+$0x100] =	vst v20  }
0x11d: {  	s13 =	sor.u32 $0x10, s6;
	s12 =	sor.u32 $0x20, s6;
	v20 =	vor.u32 $0x200, v3;
	s4 =	sor.u32 s11, s0;
	v14 =	vld.idx.msk [tilespmem:v14+s20+$0x0], $0xffff;
	[tilespmem:s1+$0x100] =	vst v21  }
0x11e: {  	v22 =	vor.u32 $0x200, v2;
	s14 =	sor.u32 s13, s0;
	s0 =	sor.u32 s12, s0;
	v21 =	vld [tilespmem:s4+$0x0];
	[tilespmem:s29+$0x10A00] =	vst v15  }
0x11f: {  	v15 =	vld [tilespmem:s14+$0x0];
	[tilespmem:s2+$0x10A00] =	vst v16  }
0x120: {  	v16 =	vshll.u32 v24, $0x3;
	v23 =	vld [tilespmem:s0+$0x0];
	[tilespmem:s30+$0x10A00] =	vst v17  }
0x121: {  	v17 =	vand.u32 $0x7F, v24;
	v16 =	vand.u32 $0xFFFFFC00, v16;
	v13 =	vld.idx.msk [tilespmem:v13+s20+$0x0], $0xffff;
	[tilespmem:s15+$0x180] =	vst v18;
	v18 =	vor.u32 $0x380, v1;
	v1 =	vmovc v2  }
0x122: {  	p1 =	por !p1, !p1;
	s0 =	simm.s32 $0x1;
	v2 =	vor.u32 v17, v16;
	[tilespmem:s26+$0x180] =	vst v19;
	v16 =	vld.idx.msk [tilespmem:v20+s20+$0x0], $0xffff  }
0x123: {  	s0 =	simm.s32 @!p1 $0x0;
	v17 =	vshll.u32 v21, $0x3;
	v19 =	vld.idx.msk [tilespmem:v22+s20+$0x0], $0xffff;
	[tilespmem:s24+$0x180] =	vst v14  }
0x124: {  	s0 =	sshll.u32 s0, $0x6;
	v14 =	vand.u32 $0x7F, v21;
	v17 =	vand.u32 $0xFFFFFC00, v17;
	v20 =	vld.idx.msk [tilespmem:v12+s20+$0x0], $0xffff;
	v12 =	vor.u32 $0x280, v3  }
0x125: {  	s15 =	sadd.s32 s0, s16;
	v21 =	vshll.u32 v15, $0x3;
	v22 =	vshll.u32 v23, $0x3;
	v17 =	vor.u32 v14, v17;
	v24 =	vld.idx.msk [tilespmem:v4+s20+$0x0], $0xffff;
	v4 =	vmovc v11  }
0x126: {  	s23 =	sadd.s32 $0x10, s15;
	s24 =	sadd.s32 $0x20, s15;
	s14 =	sadd.s32 $0x30, s15;
	v11 =	vand.u32 $0x7F, v15;
	v14 =	vand.u32 $0xFFFFFC00, v21;
	v15 =	vand.u32 $0xFFFFFC00, v22;
	v18 =	vld.idx.msk [tilespmem:v18+s20+$0x0], $0xffff  }
0x127: {  	s26 =	sor.u32 $0x200, s23;
	s0 =	sor.u32 $0x200, s14;
	v11 =	vor.u32 v11, v14;
	v14 =	vand.u32 $0x7F, v23;
	v22 =	vor.u32 $0x280, v1;
	v21 =	vld.idx.msk [tilespmem:v2+s20+$0x0], $0xffff;
	[tilespmem:s1+$0x180] =	vst v13;
	s1 =	sor.u32 $0x200, s24  }
0x128: {  	s2 =	sor.u32 $0x200, s15;
	s28 =	sor.u32 $0x280, s23;
	s25 =	sor.u32 $0x280, s24;
	v23 =	vor.u32 $0x80, v11;
	v25 =	vor.u32 $0x100, v11;
	v15 =	vor.u32 v14, v15;
	v26 =	vld.idx.msk [tilespmem:v10+s20+$0x0], $0xffff;
	[tilespmem:s0+$0x10A00] =	vst v16  }
0x129: {  	s4 =	sor.u32 $0x280, s15;
	s29 =	sor.u32 $0x300, s24;
	v14 =	vor.u32 $0x180, v11;
	v16 =	vor.u32 $0x80, v15;
	v27 =	vor.u32 $0x100, v15;
	s0 =	sor.u32 $0x300, s23;
	[tilespmem:s2+$0x10A00] =	vst v19;
	v19 =	vld.idx.msk [tilespmem:v12+s20+$0x0], $0xffff  }
0x12a: {  	s30 =	sor.u32 $0x380, s23;
	v13 =	vor.u32 $0x180, v15;
	v10 =	vor.u32 $0x200, v15;
	s23 =	sor.u32 $0x380, s24;
	v12 =	vor.u32 $0x200, v11;
	s2 =	sor.u32 $0x300, s15;
	v28 =	vld.idx.msk [tilespmem:v17+s20+$0x0], $0xffff;
	[tilespmem:s26+$0x10A00] =	vst v20  }
0x12b: {  	v30 =	vor.u32 $0x300, v3;
	s15 =	sor.u32 $0x380, s15;
	v20 =	vor.u32 $0x280, v15;
	v29 =	vld.idx.msk [tilespmem:v9+s20+$0x0], $0xffff;
	v9 =	vor.u32 $0x280, v11;
	[tilespmem:s7+$0x10A00] =	vst v24;
	s7 =	smov.u32 s23  }
0x12c: {  	s16 =	sadd.s32 $0x200, s16;
	v33 =	vor.u32 $0x80, v17;
	v31 =	vor.u32 $0x300, v11;
	v32 =	vor.u32 $0x300, v15;
	v24 =	vld.idx.msk [tilespmem:v11+s20+$0x0], $0xffff;
	[tilespmem:s17+$0x10A00] =	vst v18;
	s17 =	smov.u32 s15  }
0x12d: {  	v34 =	vor.u32 $0x380, v11;
	s15 =	sand.u32 $0x3C00, s16;
	v18 =	vor.u32 $0x80, v2;
	v11 =	vor.u32 $0x380, v15;
	v35 =	vld.idx.msk [tilespmem:v15+s20+$0x0], $0xffff  }
0x12e: {  	s23 =	sadd.s32 $0x10A00, s15;
	v36 =	vld.idx.msk [tilespmem:v22+s20+$0x0], $0xffff;
	[tilespmem:s1+$0x10A00] =	vst v26;
	s1 =	sor.u32 $0x280, s14  }
0x12f: {  	s26 =	sor.u32 s6, s23;
	s24 =	sor.u32 s13, s23;
	s15 =	sor.u32 s11, s23;
	v15 =	vld.idx.msk [tilespmem:v8+s20+$0x0], $0xffff;
	[tilespmem:s1+$0x10A00] =	vst v19;
	v8 =	vmov v20  }
0x130: {  	s1 =	sor.u32 s12, s23;
	[tilespmem:s15+$0x0] =	vst v28;
	v19 =	vld.idx.msk [tilespmem:v30+s20+$0x0], $0xffff  }
0x131: {  	[tilespmem:s26+$0x0] =	vst v21;
	v20 =	vld.idx.msk [tilespmem:v33+s20+$0x0], $0xffff  }
0x132: {  	v21 =	vor.u32 $0x380, v3;
	v3 =	vmov v17;
	v18 =	vld.idx.msk [tilespmem:v18+s20+$0x0], $0xffff;
	[tilespmem:s24+$0x0] =	vst v24  }
0x133: {  	v22 =	vor.u32 $0x100, v3;
	v17 =	vld.idx.msk [tilespmem:v23+s20+$0x0], $0xffff;
	[tilespmem:s1+$0x0] =	vst v35  }
0x134: {  	v23 =	vor.u32 $0x100, v2;
	v16 =	vld.idx.msk [tilespmem:v16+s20+$0x0], $0xffff;
	[tilespmem:s28+$0x10A00] =	vst v29  }
0x135: {  	s6 =	sor.u32 $0x300, s14;
	v24 =	vld.idx.msk [tilespmem:v7+s20+$0x0], $0xffff;
	[tilespmem:s25+$0x10A00] =	vst v15;
	v7 =	vmov v31  }
0x136: {  	v15 =	vld.idx.msk [tilespmem:v6+s20+$0x0], $0xffff;
	[tilespmem:s6+$0x10A00] =	vst v19;
	v6 =	vmov v32  }
0x137: {  	v26 =	vor.u32 $0x300, v1;
	[tilespmem:s15+$0x80] =	vst v20;
	v28 =	vld.idx.msk [tilespmem:v21+s20+$0x0], $0xffff  }
0x138: {  	[tilespmem:s26+$0x80] =	vst v18;
	v19 =	vld.idx.msk [tilespmem:v22+s20+$0x0], $0xffff  }
.Ltmp1:
0x139: {  	v18 =	vld.idx.msk [tilespmem:v23+s20+$0x0], $0xffff;
	[tilespmem:s24+$0x80] =	vst v17;
	(pc) =	sbr.rel @p2 .LBB2_5-.Ltmp1, $4  }
0x13a: {  	v23 =	vor.u32 $0x180, v3;
	v20 =	vld.idx.msk [tilespmem:v25+s20+$0x0], $0xffff;
	[tilespmem:s1+$0x80] =	vst v16  }
0x13b: {  	v22 =	vor.u32 $0x180, v2;
	v21 =	vld.idx.msk [tilespmem:v27+s20+$0x0], $0xffff;
	[tilespmem:s4+$0x10A00] =	vst v36  }
0x13c: {  	v16 =	vld.idx.msk [tilespmem:v26+s20+$0x0], $0xffff;
	[tilespmem:s0+$0x10A00] =	vst v24;
	s0 =	sor.u32 $0x380, s14  }
0x13d: {  	s18 =	sadd.s32 $0x40, s18;
	v17 =	vld.idx.msk [tilespmem:v5+s20+$0x0], $0xffff;
	[tilespmem:s0+$0x10A00] =	vst v28;
	v5 =	vmov v34  }
0x13e: {  	_ =	sdelay $0x2  }
0x13f: {  	[tilespmem:s15+$0x100] =	vst v19  }
0x140: {  	v19 =	vld.idx.msk [tilespmem:v23+s20+$0x0], $0xffff;
	[tilespmem:s24+$0x100] =	vst v20  }
0x141: {  	[tilespmem:s26+$0x100] =	vst v18;
	v20 =	vor.u32 $0x200, v3;
	v14 =	vld.idx.msk [tilespmem:v14+s20+$0x0], $0xffff  }
0x142: {  	v18 =	vld.idx.msk [tilespmem:v22+s20+$0x0], $0xffff;
	[tilespmem:s1+$0x100] =	vst v21  }
0x143: {  	v21 =	vor.u32 $0x200, v2;
	v13 =	vld.idx.msk [tilespmem:v13+s20+$0x0], $0xffff;
	_ =	sdelay $0x1  }
0x144: {  	p1 =	por !p1, !p1;
	s0 =	simm.s32 $0x1;
	[tilespmem:s15+$0x180] =	vst v19  }
0x145: {  	s0 =	simm.s32 @!p1 $0x0;
	v19 =	vld.idx.msk [tilespmem:v20+s20+$0x0], $0xffff;
	[tilespmem:s24+$0x180] =	vst v14  }
0x146: {  	s0 =	sshll.u32 s0, $0x6;
	[tilespmem:s26+$0x180] =	vst v18;
	v14 =	vor.u32 $0x280, v3;
	v12 =	vld.idx.msk [tilespmem:v12+s20+$0x0], $0xffff  }
0x147: {  	s0 =	sadd.s32 s0, s16;
	[tilespmem:s1+$0x180] =	vst v13;
	v13 =	vld.idx.msk [tilespmem:v21+s20+$0x0], $0xffff  }
0x148: {  	s13 =	sadd.s32 $0x30, s0;
	v18 =	vor.u32 $0x280, v2;
	v10 =	vld.idx.msk [tilespmem:v10+s20+$0x0], $0xffff  }
0x149: {  	s4 =	sadd.s32 $0x10, s0;
	s6 =	sor.u32 $0x200, s13  }
0x14a: {  	s11 =	sor.u32 $0x200, s4;
	[tilespmem:s6+$0x10A00] =	vst v19  }
0x14b: {  	s9 =	sadd.s32 $0x20, s0;
	s15 =	sor.u32 $0x200, s0;
	v14 =	vld.idx.msk [tilespmem:v14+s20+$0x0], $0xffff;
	[tilespmem:s11+$0x10A00] =	vst v12  }
0x14c: {  	s14 =	sor.u32 $0x200, s9;
	v12 =	vor.u32 $0x300, v3;
	[tilespmem:s15+$0x10A00] =	vst v13;
	v9 =	vld.idx.msk [tilespmem:v9+s20+$0x0], $0xffff  }
0x14d: {  	[tilespmem:s14+$0x10A00] =	vst v10;
	v10 =	vld.idx.msk [tilespmem:v18+s20+$0x0], $0xffff  }
0x14e: {  	v13 =	vor.u32 $0x300, v2;
	v8 =	vld.idx.msk [tilespmem:v8+s20+$0x0], $0xffff  }
0x14f: {  	[tilespmem:s29+$0x10A00] =	vst v15;
	s16 =	sor.u32 $0x280, s13  }
0x150: {  	s18 =	sor.u32 $0x280, s4;
	[tilespmem:s16+$0x10A00] =	vst v14  }
0x151: {  	v1 =	vor.u32 $0x380, v1;
	s24 =	sor.u32 $0x280, s0;
	v12 =	vld.idx.msk [tilespmem:v12+s20+$0x0], $0xffff;
	[tilespmem:s18+$0x10A00] =	vst v9  }
0x152: {  	s23 =	sor.u32 $0x280, s9;
	v3 =	vor.u32 $0x380, v3;
	[tilespmem:s24+$0x10A00] =	vst v10;
	v7 =	vld.idx.msk [tilespmem:v7+s20+$0x0], $0xffff  }
0x153: {  	[tilespmem:s23+$0x10A00] =	vst v8;
	v8 =	vld.idx.msk [tilespmem:v13+s20+$0x0], $0xffff  }
0x154: {  	[tilespmem:s2+$0x10A00] =	vst v16;
	v2 =	vor.u32 $0x380, v2;
	v6 =	vld.idx.msk [tilespmem:v6+s20+$0x0], $0xffff  }
0x155: {  	v4 =	vld.idx.msk [tilespmem:v4+s20+$0x0], $0xffff;
	[tilespmem:s30+$0x10A00] =	vst v17;
	s25 =	sor.u32 $0x300, s13  }
0x156: {  	v1 =	vld.idx.msk [tilespmem:v1+s20+$0x0], $0xffff;
	s26 =	sor.u32 $0x300, s4;
	[tilespmem:s25+$0x10A00] =	vst v12  }
0x157: {  	s31 =	sor.u32 $0x300, s0;
	v3 =	vld.idx.msk [tilespmem:v3+s20+$0x0], $0xffff;
	[tilespmem:s26+$0x10A00] =	vst v7  }
0x158: {  	s28 =	sor.u32 $0x300, s9;
	[tilespmem:s31+$0x10A00] =	vst v8;
	v5 =	vld.idx.msk [tilespmem:v5+s20+$0x0], $0xffff  }
0x159: {  	[tilespmem:s28+$0x10A00] =	vst v6;
	v2 =	vld.idx.msk [tilespmem:v2+s20+$0x0], $0xffff  }
0x15a: {  	[tilespmem:s7+$0x10A00] =	vst v4;
	v6 =	vld.idx.msk [tilespmem:v11+s20+$0x0], $0xffff  }
0x15b: {  	s1 =	sor.u32 $0x380, s13;
	[tilespmem:s17+$0x10A00] =	vst v1  }
0x15c: {  	s7 =	sor.u32 $0x380, s4;
	[tilespmem:s1+$0x10A00] =	vst v3  }
0x15d: {  	s0 =	sor.u32 $0x380, s0;
	[tilespmem:s7+$0x10A00] =	vst v5  }
0x15e: {  	s12 =	rddreg [dreg:$0x2];
	s9 =	sor.u32 $0x380, s9;
	s11 =	sshll.u32 s10, $0x8;
	[tilespmem:s0+$0x10A00] =	vst v2  }
0x15f: {  	s13 =	simm.s32 $0x10A00;
	s0 =	sadd.s32 s12, s11;
	[tilespmem:s9+$0x10A00] =	vst v6  }
0x160: {  	[hbm4b:s0+s5] =	stream.linear.scatter [tilespmem:s13], [sflag:$0x5], $0x4000, $0x38;
	[tilespmem:$0x18A00] =	vst v63  }
0x161: {  	p1 =	seq.s32 s3, $0x14;
	s0 =	rddreg [dreg:$0xc]  }
0x162: {  	s0 =	sadd.s32 @!p1 s22, s0  }
0x163: {  	s2 =	simm.s32 @!p1 $0x4A00;
	s1 =	rddreg [dreg:$0x0];
	s0 =	sshll.u32 @!p1 s0, $0xB  }
0x164: {  	s14 =	simm.s32 $0x3;
	s0 =	sadd.s32 @!p1 s1, s0;
	s1 =	simm.s32 @!p1 $0x0  }
0x165: {  	[tilespmem:s2], [sflag:$0x2] =	stream.linear.gather @!p1 [hbm4b:s0+s1], $0x4000, $0x38;
	[tilespmem:$0x18A00] =	vst v63  }
0x166: {  	_ =	swait.ge [sflag:s14], $0x4000  }
0x167: {  	[sflag:s14] =	ssyncset.done $0x0  }
0x168: {  	s15 =	simm.s32 $0x0;
	s0 =	simm.s32 @!p0 $0x6;
	[sflag:s14] =	ssyncadd.s32 $0xFFFFC000  }
0x169: {  	s16 =	sand.u32 $0x40, s15;
	_ =	swait.ge @!p0 [sflag:s0], $0x4000  }
0x16a: {  	s17 =	sand.u32 $0x780, s15;
	s18 =	sor.u32 $0x30, s16;
	[sflag:s0] =	ssyncset.done @!p0 $0x0  }
0x16b: {  	s23 =	sor.u32 s18, s17;
	[sflag:s0] =	ssyncadd.s32 @!p0 $0xFFFFC000  }
0x16c: {  	v1 =	vld [tilespmem:s23+$0x0]  }
0x16d: {  	s24 =	sor.u32 $0x10, s16;
	v2 =	vld [tilespmem:s15+$0x0]  }
0x16e: {  	s25 =	sor.u32 $0x20, s16;
	s26 =	sor.u32 s24, s17  }
0x16f: {  	s4 =	sor.u32 s25, s17;
	v3 =	vld [tilespmem:s26+$0x0]  }
0x170: {  	v4 =	vld [tilespmem:s4+$0x0]  }
0x171: {  	v5 =	vshll.u32 v1, $0x3  }
0x172: {  	v6 =	vshll.u32 v2, $0x3;
	v1 =	vand.u32 $0x7F, v1;
	v5 =	vand.u32 $0xFFFFFC00, v5  }
0x173: {  	v2 =	vand.u32 $0x7F, v2;
	v7 =	vand.u32 $0xFFFFFC00, v6;
	v6 =	vor.u32 v1, v5  }
0x174: {  	v1 =	vor.u32 v2, v7;
	v2 =	vshll.u32 v3, $0x3  }
0x175: {  	v5 =	vshll.u32 v4, $0x3;
	v3 =	vand.u32 $0x7F, v3;
	v2 =	vand.u32 $0xFFFFFC00, v2  }
0x176: {  	v7 =	vand.u32 $0xFFFFFC00, v5;
	v5 =	vor.u32 v3, v2;
	v2 =	vand.u32 $0x7F, v4  }
0x177: {  	v4 =	vor.u32 v2, v7  }
0x178: {  	v2 =	vld.idx.msk [tilespmem:v6+s21+$0x0], $0xffff  }
0x179: {  	v7 =	vor.u32 $0x80, v6;
	v3 =	vld.idx.msk [tilespmem:v1+s21+$0x0], $0xffff  }
0x17a: {  	s1 =	sand.u32 $0x3C00, s15;
	v8 =	vor.u32 $0x80, v1  }
0x17b: {  	s1 =	sadd.s32 $0x14A00, s1;
	v9 =	vld.idx.msk [tilespmem:v5+s21+$0x0], $0xffff  }
0x17c: {  	s28 =	sor.u32 s18, s1;
	v10 =	vor.u32 $0x80, v5;
	v11 =	vld.idx.msk [tilespmem:v4+s21+$0x0], $0xffff  }
0x17d: {  	s31 =	sor.u32 s16, s1;
	v12 =	vor.u32 $0x80, v4;
	[tilespmem:s28+$0x0] =	vst v2  }
0x17e: {  	[tilespmem:s31+$0x0] =	vst v3;
	v2 =	vld.idx.msk [tilespmem:v7+s21+$0x0], $0xffff  }
0x17f: {  	s12 =	sor.u32 s24, s1;
	v3 =	vld.idx.msk [tilespmem:v8+s21+$0x0], $0xffff;
	v7 =	vor.u32 $0x100, v6  }
0x180: {  	s0 =	sor.u32 s25, s1;
	v8 =	vor.u32 $0x100, v1;
	[tilespmem:s12+$0x0] =	vst v9  }
0x181: {  	v9 =	vld.idx.msk [tilespmem:v10+s21+$0x0], $0xffff;
	[tilespmem:s0+$0x0] =	vst v11  }
0x182: {  	v10 =	vor.u32 $0x100, v5;
	v11 =	vld.idx.msk [tilespmem:v12+s21+$0x0], $0xffff  }
0x183: {  	v12 =	vor.u32 $0x100, v4;
	[tilespmem:s28+$0x80] =	vst v2  }
0x184: {  	[tilespmem:s31+$0x80] =	vst v3;
	v2 =	vld.idx.msk [tilespmem:v7+s21+$0x0], $0xffff  }
0x185: {  	v3 =	vld.idx.msk [tilespmem:v8+s21+$0x0], $0xffff;
	v7 =	vor.u32 $0x180, v6  }
0x186: {  	v8 =	vor.u32 $0x180, v1;
	[tilespmem:s12+$0x80] =	vst v9  }
0x187: {  	v9 =	vld.idx.msk [tilespmem:v10+s21+$0x0], $0xffff;
	[tilespmem:s0+$0x80] =	vst v11  }
0x188: {  	s9 =	simm.s32 $0x40;
	v10 =	vor.u32 $0x180, v5;
	v11 =	vld.idx.msk [tilespmem:v12+s21+$0x0], $0xffff  }
0x189: {  	s1 =	sand.u32 $0x40, s9;
	v12 =	vld [tilespmem:s9+$0x0];
	[tilespmem:s28+$0x100] =	vst v2  }
0x18a: {  	s17 =	sand.u32 $0x780, s9;
	s18 =	sor.u32 $0x30, s1;
	[tilespmem:s31+$0x100] =	vst v3;
	v2 =	vld.idx.msk [tilespmem:v7+s21+$0x0], $0xffff  }
0x18b: {  	s23 =	sor.u32 s18, s17;
	v3 =	vor.u32 $0x180, v4;
	v7 =	vld.idx.msk [tilespmem:v8+s21+$0x0], $0xffff  }
0x18c: {  	s24 =	sor.u32 $0x10, s1;
	v8 =	vor.u32 $0x200, v6;
	[tilespmem:s12+$0x100] =	vst v9;
	v9 =	vld [tilespmem:s23+$0x0]  }
0x18d: {  	s25 =	sor.u32 $0x20, s1;
	s13 =	sor.u32 s24, s17;
	v10 =	vld.idx.msk [tilespmem:v10+s21+$0x0], $0xffff  }
0x18e: {  	s7 =	sor.u32 s25, s17;
	v14 =	vld [tilespmem:s13+$0x0];
	v13 =	vor.u32 $0x200, v5;
	v15 =	vshll.u32 v12, $0x3  }
0x18f: {  	v16 =	vld [tilespmem:s7+$0x0];
	[tilespmem:s0+$0x100] =	vst v11;
	v11 =	vor.u32 $0x200, v1;
	v12 =	vand.u32 $0x7F, v12;
	v15 =	vand.u32 $0xFFFFFC00, v15  }
0x190: {  	p0 =	por $0x0, $0x0;
	s7 =	simm.s32 $0x1;
	v17 =	vld.idx.msk [tilespmem:v3+s21+$0x0], $0xffff;
	[tilespmem:s28+$0x180] =	vst v2;
	v2 =	vor.u32 v12, v15  }
0x191: {  	s7 =	simm.s32 @!p0 $0x0;
	v12 =	vor.u32 $0x200, v4;
	v8 =	vld.idx.msk [tilespmem:v8+s21+$0x0], $0xffff;
	v3 =	vshll.u32 v9, $0x3  }
0x192: {  	s7 =	sshll.u32 s7, $0x6;
	v9 =	vand.u32 $0x7F, v9;
	[tilespmem:s12+$0x180] =	vst v10;
	v3 =	vand.u32 $0xFFFFFC00, v3;
	v10 =	vor.u32 $0x280, v6  }
0x193: {  	s6 =	sadd.s32 $0x0, s7;
	v15 =	vor.u32 $0x280, v5;
	[tilespmem:s31+$0x180] =	vst v7;
	v7 =	vld.idx.msk [tilespmem:v13+s21+$0x0], $0xffff;
	v13 =	vshll.u32 v14, $0x3;
	v3 =	vor.u32 v9, v3  }
0x194: {  	s7 =	sadd.s32 $0x30, s6;
	v9 =	vld.idx.msk [tilespmem:v11+s21+$0x0], $0xffff;
	v11 =	vshll.u32 v16, $0x3;
	v14 =	vand.u32 $0x7F, v14;
	v13 =	vand.u32 $0xFFFFFC00, v13  }
0x195: {  	s26 =	sor.u32 $0x200, s7;
	v11 =	vand.u32 $0xFFFFFC00, v11;
	[tilespmem:s0+$0x180] =	vst v17;
	v18 =	vld.idx.msk [tilespmem:v2+s21+$0x0], $0xffff;
	v22 =	vor.u32 v14, v13;
	v13 =	vand.u32 $0x7F, v16  }
0x196: {  	s4 =	sadd.s32 $0x10, s6;
	v12 =	vld.idx.msk [tilespmem:v12+s21+$0x0], $0xffff;
	v11 =	vor.u32 v13, v11;
	[tilespmem:s26+$0x14A00] =	vst v8  }
0x197: {  	s28 =	sor.u32 $0x200, s4;
	v8 =	vor.u32 $0x280, v1;
	v10 =	vld.idx.msk [tilespmem:v10+s21+$0x0], $0xffff  }
0x198: {  	s10 =	simm.s32 $0x200;
	s31 =	sor.u32 $0x200, s6;
	v13 =	vor.u32 $0x280, v4;
	v14 =	vld.idx.msk [tilespmem:v3+s21+$0x0], $0xffff;
	[tilespmem:s28+$0x14A00] =	vst v7  }
0x199: {  	s15 =	sand.u32 $0x3C00, s10;
	s12 =	sadd.s32 $0x20, s6;
	[tilespmem:s31+$0x14A00] =	vst v9;
	v9 =	vor.u32 $0x80, v2;
	v7 =	vld.idx.msk [tilespmem:v15+s21+$0x0], $0xffff  }
0x19a: {  	s13 =	sadd.s32 $0x14A00, s15;
	s14 =	sor.u32 $0x200, s12;
	v15 =	vor.u32 $0x300, v6;
	v16 =	vld.idx.msk [tilespmem:v22+s21+$0x0], $0xffff  }
0x19b: {  	v17 =	vor.u32 $0x80, v3;
	s26 =	sor.u32 s1, s13;
	[tilespmem:s14+$0x14A00] =	vst v12;
	v19 =	vld.idx.msk [tilespmem:v11+s21+$0x0], $0xffff  }
0x19c: {  	s16 =	sor.u32 $0x280, s7;
	v20 =	vor.u32 $0x80, v22;
	[tilespmem:s26+$0x0] =	vst v18;
	v8 =	vld.idx.msk [tilespmem:v8+s21+$0x0], $0xffff  }
0x19d: {  	s15 =	sor.u32 s18, s13;
	v12 =	vor.u32 $0x80, v11;
	v13 =	vld.idx.msk [tilespmem:v13+s21+$0x0], $0xffff;
	[tilespmem:s16+$0x14A00] =	vst v10  }
0x19e: {  	s17 =	sor.u32 $0x280, s4;
	v10 =	vor.u32 $0x300, v5;
	[tilespmem:s15+$0x0] =	vst v14;
	v9 =	vld.idx.msk [tilespmem:v9+s21+$0x0], $0xffff  }
0x19f: {  	s24 =	sor.u32 s24, s13;
	v14 =	vld.idx.msk [tilespmem:v15+s21+$0x0], $0xffff;
	v15 =	vor.u32 $0x300, v4;
	[tilespmem:s17+$0x14A00] =	vst v7  }
0x1a0: {  	s1 =	sor.u32 s25, s13;
	v6 =	vor.u32 $0x380, v6;
	v17 =	vld.idx.msk [tilespmem:v17+s21+$0x0], $0xffff;
	[tilespmem:s24+$0x0] =	vst v16  }
0x1a1: {  	s18 =	sor.u32 $0x280, s12;
	v18 =	vor.u32 $0x100, v3;
	v16 =	vld.idx.msk [tilespmem:v20+s21+$0x0], $0xffff;
	[tilespmem:s1+$0x0] =	vst v19  }
0x1a2: {  	v20 =	vor.u32 $0x100, v2;
	[tilespmem:s18+$0x14A00] =	vst v13;
	v21 =	vld.idx.msk [tilespmem:v12+s21+$0x0], $0xffff  }
0x1a3: {  	s23 =	sor.u32 $0x300, s7;
	v7 =	vor.u32 $0x100, v22;
	v23 =	vld.idx.msk [tilespmem:v10+s21+$0x0], $0xffff;
	[tilespmem:s26+$0x80] =	vst v9  }
0x1a4: {  	v24 =	vor.u32 $0x100, v11;
	v15 =	vld.idx.msk [tilespmem:v15+s21+$0x0], $0xffff;
	[tilespmem:s23+$0x14A00] =	vst v14  }
0x1a5: {  	[tilespmem:s15+$0x80] =	vst v17;
	v17 =	vor.u32 $0x300, v1;
	v25 =	vld.idx.msk [tilespmem:v6+s21+$0x0], $0xffff  }
0x1a6: {  	v26 =	vor.u32 $0x380, v5;
	v19 =	vld.idx.msk [tilespmem:v18+s21+$0x0], $0xffff;
	[tilespmem:s24+$0x80] =	vst v16  }
0x1a7: {  	s28 =	sor.u32 $0x300, s4;
	v5 =	vor.u32 $0x380, v22;
	v18 =	vld.idx.msk [tilespmem:v20+s21+$0x0], $0xffff;
	s0 =	rddreg [dreg:$0xd];
	[tilespmem:s1+$0x80] =	vst v21  }
0x1a8: {  	s25 =	sor.u32 $0x280, s6;
	v12 =	vor.u32 $0x200, v22;
	v9 =	vor.u32 $0x280, v22;
	v20 =	vld.idx.msk [tilespmem:v7+s21+$0x0], $0xffff;
	[tilespmem:s28+$0x14A00] =	vst v23;
	v23 =	vor.u32 $0x180, v3  }
0x1a9: {  	s2 =	sor.u32 $0x300, s6;
	s30 =	sor.u32 $0x380, s4;
	s29 =	sor.u32 $0x300, s12;
	v14 =	vor.u32 $0x180, v22;
	[tilespmem:s25+$0x14A00] =	vst v8;
	v7 =	vor.u32 $0x300, v22;
	v22 =	vor.u32 $0x180, v2;
	v21 =	vld.idx.msk [tilespmem:v24+s21+$0x0], $0xffff  }
0x1aa: {  	s31 =	sor.u32 $0x380, s7;
	s7 =	sor.u32 $0x380, s12;
	s16 =	sor.u32 $0x380, s6;
	v4 =	vor.u32 $0x380, v4;
	v13 =	vor.u32 $0x180, v11;
	v10 =	vor.u32 $0x200, v11;
	v16 =	vld.idx.msk [tilespmem:v17+s21+$0x0], $0xffff  }
0x1ab: {  	s17 =	simm.s32 $0x4;
	s18 =	simm.s32 $0x80;
	v6 =	vor.u32 $0x300, v11;
	v8 =	vor.u32 $0x280, v11;
	v11 =	vor.u32 $0x380, v11;
	s8 =	sadd.s32 s8, s0;
	v17 =	vld.idx.msk [tilespmem:v26+s21+$0x0], $0xffff;
	[tilespmem:s31+$0x14A00] =	vst v25  }
.LBB2_7:
0x1ac: {  	v24 =	vld [tilespmem:s18+$0x0];
	[tilespmem:s15+$0x100] =	vst v19;
	s9 =	sadd.s32 $0x40, s9  }
0x1ad: {  	s17 =	sadd.s32 $0x4, s17;
	s6 =	sand.u32 $0x40, s9;
	[tilespmem:s26+$0x100] =	vst v18;
	v18 =	vld.idx.msk [tilespmem:v23+s21+$0x0], $0xffff  }
0x1ae: {  	s0 =	sand.u32 $0x780, s9;
	p2 =	slt.u32 s17, $0x7C;
	s11 =	sor.u32 $0x30, s6;
	v19 =	vld.idx.msk [tilespmem:v22+s21+$0x0], $0xffff;
	[tilespmem:s24+$0x100] =	vst v20  }
0x1af: {  	s13 =	sor.u32 $0x10, s6;
	s12 =	sor.u32 $0x20, s6;
	v20 =	vor.u32 $0x200, v3;
	s4 =	sor.u32 s11, s0;
	v14 =	vld.idx.msk [tilespmem:v14+s21+$0x0], $0xffff;
	[tilespmem:s1+$0x100] =	vst v21  }
0x1b0: {  	v22 =	vor.u32 $0x200, v2;
	s14 =	sor.u32 s13, s0;
	s0 =	sor.u32 s12, s0;
	v21 =	vld [tilespmem:s4+$0x0];
	[tilespmem:s29+$0x14A00] =	vst v15  }
0x1b1: {  	v15 =	vld [tilespmem:s14+$0x0];
	[tilespmem:s2+$0x14A00] =	vst v16  }
0x1b2: {  	v16 =	vshll.u32 v24, $0x3;
	v23 =	vld [tilespmem:s0+$0x0];
	[tilespmem:s30+$0x14A00] =	vst v17  }
0x1b3: {  	v17 =	vand.u32 $0x7F, v24;
	v16 =	vand.u32 $0xFFFFFC00, v16;
	v13 =	vld.idx.msk [tilespmem:v13+s21+$0x0], $0xffff;
	[tilespmem:s15+$0x180] =	vst v18;
	v18 =	vor.u32 $0x380, v1;
	v1 =	vmovc v2  }
0x1b4: {  	p0 =	por !p0, !p0;
	s0 =	simm.s32 $0x1;
	v2 =	vor.u32 v17, v16;
	[tilespmem:s26+$0x180] =	vst v19;
	v16 =	vld.idx.msk [tilespmem:v20+s21+$0x0], $0xffff  }
0x1b5: {  	s0 =	simm.s32 @!p0 $0x0;
	v17 =	vshll.u32 v21, $0x3;
	v19 =	vld.idx.msk [tilespmem:v22+s21+$0x0], $0xffff;
	[tilespmem:s24+$0x180] =	vst v14  }
0x1b6: {  	s0 =	sshll.u32 s0, $0x6;
	v14 =	vand.u32 $0x7F, v21;
	v17 =	vand.u32 $0xFFFFFC00, v17;
	v20 =	vld.idx.msk [tilespmem:v12+s21+$0x0], $0xffff;
	v12 =	vor.u32 $0x280, v3  }
0x1b7: {  	s15 =	sadd.s32 s0, s10;
	v21 =	vshll.u32 v15, $0x3;
	v22 =	vshll.u32 v23, $0x3;
	v17 =	vor.u32 v14, v17;
	v24 =	vld.idx.msk [tilespmem:v4+s21+$0x0], $0xffff;
	v4 =	vmovc v11  }
0x1b8: {  	s23 =	sadd.s32 $0x10, s15;
	s24 =	sadd.s32 $0x20, s15;
	s14 =	sadd.s32 $0x30, s15;
	v11 =	vand.u32 $0x7F, v15;
	v14 =	vand.u32 $0xFFFFFC00, v21;
	v15 =	vand.u32 $0xFFFFFC00, v22;
	v18 =	vld.idx.msk [tilespmem:v18+s21+$0x0], $0xffff  }
0x1b9: {  	s26 =	sor.u32 $0x200, s23;
	s0 =	sor.u32 $0x200, s14;
	v11 =	vor.u32 v11, v14;
	v14 =	vand.u32 $0x7F, v23;
	v22 =	vor.u32 $0x280, v1;
	v21 =	vld.idx.msk [tilespmem:v2+s21+$0x0], $0xffff;
	[tilespmem:s1+$0x180] =	vst v13;
	s1 =	sor.u32 $0x200, s24  }
0x1ba: {  	s2 =	sor.u32 $0x200, s15;
	s28 =	sor.u32 $0x280, s23;
	s25 =	sor.u32 $0x280, s24;
	v23 =	vor.u32 $0x80, v11;
	v25 =	vor.u32 $0x100, v11;
	v15 =	vor.u32 v14, v15;
	v26 =	vld.idx.msk [tilespmem:v10+s21+$0x0], $0xffff;
	[tilespmem:s0+$0x14A00] =	vst v16  }
0x1bb: {  	s4 =	sor.u32 $0x280, s15;
	s29 =	sor.u32 $0x300, s24;
	v14 =	vor.u32 $0x180, v11;
	v16 =	vor.u32 $0x80, v15;
	v27 =	vor.u32 $0x100, v15;
	s0 =	sor.u32 $0x300, s23;
	[tilespmem:s2+$0x14A00] =	vst v19;
	v19 =	vld.idx.msk [tilespmem:v12+s21+$0x0], $0xffff  }
0x1bc: {  	s30 =	sor.u32 $0x380, s23;
	v13 =	vor.u32 $0x180, v15;
	v10 =	vor.u32 $0x200, v15;
	s23 =	sor.u32 $0x380, s24;
	v12 =	vor.u32 $0x200, v11;
	s2 =	sor.u32 $0x300, s15;
	v28 =	vld.idx.msk [tilespmem:v17+s21+$0x0], $0xffff;
	[tilespmem:s26+$0x14A00] =	vst v20  }
0x1bd: {  	v30 =	vor.u32 $0x300, v3;
	s15 =	sor.u32 $0x380, s15;
	v20 =	vor.u32 $0x280, v15;
	v29 =	vld.idx.msk [tilespmem:v9+s21+$0x0], $0xffff;
	v9 =	vor.u32 $0x280, v11;
	[tilespmem:s7+$0x14A00] =	vst v24;
	s7 =	smov.u32 s23  }
0x1be: {  	s10 =	sadd.s32 $0x200, s10;
	v33 =	vor.u32 $0x80, v17;
	v31 =	vor.u32 $0x300, v11;
	v32 =	vor.u32 $0x300, v15;
	v24 =	vld.idx.msk [tilespmem:v11+s21+$0x0], $0xffff;
	[tilespmem:s16+$0x14A00] =	vst v18;
	s16 =	smov.u32 s15  }
0x1bf: {  	v34 =	vor.u32 $0x380, v11;
	s15 =	sand.u32 $0x3C00, s10;
	v18 =	vor.u32 $0x80, v2;
	v11 =	vor.u32 $0x380, v15;
	v35 =	vld.idx.msk [tilespmem:v15+s21+$0x0], $0xffff  }
0x1c0: {  	s23 =	sadd.s32 $0x14A00, s15;
	v36 =	vld.idx.msk [tilespmem:v22+s21+$0x0], $0xffff;
	[tilespmem:s1+$0x14A00] =	vst v26;
	s1 =	sor.u32 $0x280, s14  }
0x1c1: {  	s26 =	sor.u32 s6, s23;
	s24 =	sor.u32 s13, s23;
	s15 =	sor.u32 s11, s23;
	v15 =	vld.idx.msk [tilespmem:v8+s21+$0x0], $0xffff;
	[tilespmem:s1+$0x14A00] =	vst v19;
	v8 =	vmov v20  }
0x1c2: {  	s1 =	sor.u32 s12, s23;
	[tilespmem:s15+$0x0] =	vst v28;
	v19 =	vld.idx.msk [tilespmem:v30+s21+$0x0], $0xffff  }
0x1c3: {  	[tilespmem:s26+$0x0] =	vst v21;
	v20 =	vld.idx.msk [tilespmem:v33+s21+$0x0], $0xffff  }
0x1c4: {  	v21 =	vor.u32 $0x380, v3;
	v3 =	vmov v17;
	v18 =	vld.idx.msk [tilespmem:v18+s21+$0x0], $0xffff;
	[tilespmem:s24+$0x0] =	vst v24  }
0x1c5: {  	v22 =	vor.u32 $0x100, v3;
	v17 =	vld.idx.msk [tilespmem:v23+s21+$0x0], $0xffff;
	[tilespmem:s1+$0x0] =	vst v35  }
0x1c6: {  	v23 =	vor.u32 $0x100, v2;
	v16 =	vld.idx.msk [tilespmem:v16+s21+$0x0], $0xffff;
	[tilespmem:s28+$0x14A00] =	vst v29  }
0x1c7: {  	s6 =	sor.u32 $0x300, s14;
	v24 =	vld.idx.msk [tilespmem:v7+s21+$0x0], $0xffff;
	[tilespmem:s25+$0x14A00] =	vst v15;
	v7 =	vmov v31  }
0x1c8: {  	v15 =	vld.idx.msk [tilespmem:v6+s21+$0x0], $0xffff;
	[tilespmem:s6+$0x14A00] =	vst v19;
	v6 =	vmov v32  }
0x1c9: {  	v26 =	vor.u32 $0x300, v1;
	[tilespmem:s15+$0x80] =	vst v20;
	v28 =	vld.idx.msk [tilespmem:v21+s21+$0x0], $0xffff  }
0x1ca: {  	[tilespmem:s26+$0x80] =	vst v18;
	v19 =	vld.idx.msk [tilespmem:v22+s21+$0x0], $0xffff  }
.Ltmp2:
0x1cb: {  	v18 =	vld.idx.msk [tilespmem:v23+s21+$0x0], $0xffff;
	[tilespmem:s24+$0x80] =	vst v17;
	(pc) =	sbr.rel @p2 .LBB2_7-.Ltmp2, $4  }
0x1cc: {  	v23 =	vor.u32 $0x180, v3;
	v20 =	vld.idx.msk [tilespmem:v25+s21+$0x0], $0xffff;
	[tilespmem:s1+$0x80] =	vst v16  }
0x1cd: {  	v22 =	vor.u32 $0x180, v2;
	v21 =	vld.idx.msk [tilespmem:v27+s21+$0x0], $0xffff;
	[tilespmem:s4+$0x14A00] =	vst v36  }
0x1ce: {  	v16 =	vld.idx.msk [tilespmem:v26+s21+$0x0], $0xffff;
	[tilespmem:s0+$0x14A00] =	vst v24;
	s0 =	sor.u32 $0x380, s14  }
0x1cf: {  	s18 =	sadd.s32 $0x40, s18;
	v17 =	vld.idx.msk [tilespmem:v5+s21+$0x0], $0xffff;
	[tilespmem:s0+$0x14A00] =	vst v28;
	v5 =	vmov v34  }
0x1d0: {  	_ =	sdelay $0x2  }
0x1d1: {  	[tilespmem:s15+$0x100] =	vst v19  }
0x1d2: {  	[tilespmem:s26+$0x100] =	vst v18;
	v19 =	vld.idx.msk [tilespmem:v23+s21+$0x0], $0xffff  }
0x1d3: {  	v55 =	vor.u32 $0x200, v3;
	[tilespmem:s24+$0x100] =	vst v20;
	v18 =	vld.idx.msk [tilespmem:v22+s21+$0x0], $0xffff  }
0x1d4: {  	v56 =	vor.u32 $0x200, v2;
	v14 =	vld.idx.msk [tilespmem:v14+s21+$0x0], $0xffff;
	[tilespmem:s1+$0x100] =	vst v21  }
0x1d5: {  	v13 =	vld.idx.msk [tilespmem:v13+s21+$0x0], $0xffff;
	_ =	sdelay $0x1  }
0x1d6: {  	p0 =	por !p0, !p0;
	s0 =	simm.s32 $0x1;
	[tilespmem:s15+$0x180] =	vst v19  }
0x1d7: {  	s0 =	simm.s32 @!p0 $0x0;
	[tilespmem:s26+$0x180] =	vst v18;
	v19 =	vld.idx.msk [tilespmem:v55+s21+$0x0], $0xffff  }
0x1d8: {  	v57 =	vor.u32 $0x280, v3;
	s0 =	sshll.u32 s0, $0x6;
	[tilespmem:s24+$0x180] =	vst v14;
	v58 =	vld.idx.msk [tilespmem:v56+s21+$0x0], $0xffff  }
0x1d9: {  	v59 =	vor.u32 $0x280, v2;
	s0 =	sadd.s32 s0, s10;
	v12 =	vld.idx.msk [tilespmem:v12+s21+$0x0], $0xffff;
	[tilespmem:s1+$0x180] =	vst v13  }
0x1da: {  	s28 =	sadd.s32 $0x30, s0;
	v10 =	vld.idx.msk [tilespmem:v10+s21+$0x0], $0xffff  }
0x1db: {  	s6 =	sor.u32 $0x200, s28  }
0x1dc: {  	s4 =	sadd.s32 $0x10, s0;
	s12 =	sor.u32 $0x200, s0;
	[tilespmem:s6+$0x14A00] =	vst v19  }
0x1dd: {  	s9 =	sadd.s32 $0x20, s0;
	s31 =	sor.u32 $0x200, s4;
	[tilespmem:s12+$0x14A00] =	vst v58;
	v14 =	vld.idx.msk [tilespmem:v57+s21+$0x0], $0xffff  }
0x1de: {  	v60 =	vor.u32 $0x300, v3;
	s11 =	sor.u32 $0x200, s9;
	[tilespmem:s31+$0x14A00] =	vst v12;
	v61 =	vld.idx.msk [tilespmem:v59+s21+$0x0], $0xffff  }
0x1df: {  	v62 =	vor.u32 $0x300, v2;
	v9 =	vld.idx.msk [tilespmem:v9+s21+$0x0], $0xffff;
	[tilespmem:s11+$0x14A00] =	vst v10  }
0x1e0: {  	v8 =	vld.idx.msk [tilespmem:v8+s21+$0x0], $0xffff  }
0x1e1: {  	[tilespmem:s29+$0x14A00] =	vst v15;
	s13 =	sor.u32 $0x280, s28  }
0x1e2: {  	s17 =	sor.u32 $0x280, s0;
	[tilespmem:s13+$0x14A00] =	vst v14  }
0x1e3: {  	v1 =	vor.u32 $0x380, v1;
	s14 =	sor.u32 $0x280, s4;
	[tilespmem:s17+$0x14A00] =	vst v61;
	v12 =	vld.idx.msk [tilespmem:v60+s21+$0x0], $0xffff  }
0x1e4: {  	v3 =	vor.u32 $0x380, v3;
	s15 =	sor.u32 $0x280, s9;
	[tilespmem:s14+$0x14A00] =	vst v9;
	v63 =	vld.idx.msk [tilespmem:v62+s21+$0x0], $0xffff  }
0x1e5: {  	v2 =	vor.u32 $0x380, v2;
	v7 =	vld.idx.msk [tilespmem:v7+s21+$0x0], $0xffff;
	[tilespmem:s15+$0x14A00] =	vst v8  }
0x1e6: {  	[tilespmem:s2+$0x14A00] =	vst v16;
	v6 =	vld.idx.msk [tilespmem:v6+s21+$0x0], $0xffff  }
0x1e7: {  	v4 =	vld.idx.msk [tilespmem:v4+s21+$0x0], $0xffff;
	[tilespmem:s30+$0x14A00] =	vst v17;
	s18 =	sor.u32 $0x300, s28  }
0x1e8: {  	s25 =	sor.u32 $0x300, s0;
	v1 =	vld.idx.msk [tilespmem:v1+s21+$0x0], $0xffff;
	[tilespmem:s18+$0x14A00] =	vst v12  }
0x1e9: {  	s23 =	sor.u32 $0x300, s4;
	[tilespmem:s25+$0x14A00] =	vst v63;
	v3 =	vld.idx.msk [tilespmem:v3+s21+$0x0], $0xffff  }
0x1ea: {  	s24 =	sor.u32 $0x300, s9;
	[tilespmem:s23+$0x14A00] =	vst v7;
	v2 =	vld.idx.msk [tilespmem:v2+s21+$0x0], $0xffff  }
0x1eb: {  	v5 =	vld.idx.msk [tilespmem:v5+s21+$0x0], $0xffff;
	[tilespmem:s24+$0x14A00] =	vst v6  }
0x1ec: {  	[tilespmem:s7+$0x14A00] =	vst v4;
	v6 =	vld.idx.msk [tilespmem:v11+s21+$0x0], $0xffff  }
0x1ed: {  	s1 =	sor.u32 $0x380, s28;
	[tilespmem:s16+$0x14A00] =	vst v1  }
.Ltmp3:
0x1ee: {  	s0 =	sor.u32 $0x380, s0;
	[tilespmem:s1+$0x14A00] =	vst v3;
	(pc) =	sbr.rel @p1 .LBB2_10-.Ltmp3, $4  }
0x1ef: {  	s26 =	sor.u32 $0x380, s4;
	[tilespmem:s0+$0x14A00] =	vst v2  }
0x1f0: {  	s29 =	sshll.u32 s8, $0x8;
	s30 =	rddreg [dreg:$0x2];
	s28 =	sor.u32 $0x380, s9;
	[tilespmem:s26+$0x14A00] =	vst v5  }
0x1f1: {  	s31 =	simm.s32 $0x14A00;
	s0 =	sadd.s32 s30, s29;
	[tilespmem:s28+$0x14A00] =	vst v6  }
0x1f2: {  	[hbm4b:s0+s5] =	stream.linear.scatter [tilespmem:s31], [sflag:$0x6], $0x4000, $0x38;
	[tilespmem:$0x18A00] =	vst v63  }
.Ltmp4:
0x1f3: {  	s0 =	rddreg [dreg:$0xe];
	(pc) =	sbr.rel .LBB2_2-.Ltmp4, $4  }
0x1f4: {  	s0 =	sadd.s32 s22, s0  }
0x1f5: {  	s1 =	rddreg [dreg:$0x0];
	s0 =	sshll.u32 s0, $0xB  }
0x1f6: {  	s3 =	sadd.s32 $0x1, s3;
	s0 =	sadd.s32 s1, s0  }
0x1f7: {  	[tilespmem:s21], [sflag:$0x3] =	stream.linear.gather [hbm4b:s0+s5], $0x4000, $0x38;
	[tilespmem:$0x18A00] =	vst v63  }
.LBB2_10:
0x1f8: {  	s0 =	simm.s32 $0x1  }
0x1f9: {  	_ =	swait.ge [sflag:s0], $0x4000  }
0x1fa: {  	[sflag:s0] =	ssyncset.done $0x0  }
0x1fb: {  	s18 =	simm.s32 $0x0;
	s28 =	simm.s32 $0x4;
	[sflag:s0] =	ssyncadd.s32 $0xFFFFC000  }
0x1fc: {  	s1 =	sand.u32 $0x40, s18;
	_ =	swait.ge [sflag:s28], $0x4000  }
0x1fd: {  	s2 =	sand.u32 $0x780, s18;
	s3 =	sor.u32 $0x30, s1;
	[sflag:s28] =	ssyncset.done $0x0  }
0x1fe: {  	s4 =	sor.u32 s3, s2;
	[sflag:s28] =	ssyncadd.s32 $0xFFFFC000  }
0x1ff: {  	v1 =	vld [tilespmem:s4+$0x0]  }
0x200: {  	s22 =	sor.u32 $0x10, s1;
	v2 =	vld [tilespmem:s18+$0x0]  }
0x201: {  	s6 =	sor.u32 $0x20, s1;
	s7 =	sor.u32 s22, s2  }
0x202: {  	s2 =	sor.u32 s6, s2;
	v3 =	vld [tilespmem:s7+$0x0]  }
0x203: {  	v4 =	vld [tilespmem:s2+$0x0]  }
0x204: {  	v5 =	vshll.u32 v1, $0x3  }
0x205: {  	v6 =	vshll.u32 v2, $0x3;
	v1 =	vand.u32 $0x7F, v1;
	v5 =	vand.u32 $0xFFFFFC00, v5  }
0x206: {  	v2 =	vand.u32 $0x7F, v2;
	v7 =	vand.u32 $0xFFFFFC00, v6;
	v6 =	vor.u32 v1, v5  }
0x207: {  	v1 =	vor.u32 v2, v7;
	v2 =	vshll.u32 v3, $0x3  }
0x208: {  	v5 =	vshll.u32 v4, $0x3;
	v3 =	vand.u32 $0x7F, v3;
	v2 =	vand.u32 $0xFFFFFC00, v2  }
0x209: {  	v7 =	vand.u32 $0xFFFFFC00, v5;
	v5 =	vor.u32 v3, v2;
	v2 =	vand.u32 $0x7F, v4  }
0x20a: {  	v4 =	vor.u32 v2, v7  }
0x20b: {  	v2 =	vld.idx.msk [tilespmem:v6+s19+$0x0], $0xffff  }
0x20c: {  	v7 =	vor.u32 $0x80, v6;
	v3 =	vld.idx.msk [tilespmem:v1+s19+$0x0], $0xffff  }
0x20d: {  	s0 =	sand.u32 $0x3C00, s18;
	v8 =	vor.u32 $0x80, v1  }
0x20e: {  	s23 =	sadd.s32 $0xCA00, s0;
	v9 =	vld.idx.msk [tilespmem:v5+s19+$0x0], $0xffff  }
0x20f: {  	s8 =	sor.u32 s3, s23;
	v10 =	vor.u32 $0x80, v5;
	v11 =	vld.idx.msk [tilespmem:v4+s19+$0x0], $0xffff  }
0x210: {  	s0 =	sor.u32 s1, s23;
	v12 =	vor.u32 $0x80, v4;
	[tilespmem:s8+$0x0] =	vst v2  }
0x211: {  	[tilespmem:s0+$0x0] =	vst v3;
	v2 =	vld.idx.msk [tilespmem:v7+s19+$0x0], $0xffff  }
0x212: {  	s10 =	sor.u32 s22, s23;
	v3 =	vld.idx.msk [tilespmem:v8+s19+$0x0], $0xffff;
	v7 =	vor.u32 $0x100, v6  }
0x213: {  	s24 =	sor.u32 s6, s23;
	v8 =	vor.u32 $0x100, v1;
	[tilespmem:s10+$0x0] =	vst v9  }
0x214: {  	v9 =	vld.idx.msk [tilespmem:v10+s19+$0x0], $0xffff;
	[tilespmem:s24+$0x0] =	vst v11  }
0x215: {  	v10 =	vor.u32 $0x100, v5;
	v11 =	vld.idx.msk [tilespmem:v12+s19+$0x0], $0xffff  }
0x216: {  	v12 =	vor.u32 $0x100, v4;
	[tilespmem:s8+$0x80] =	vst v2  }
0x217: {  	[tilespmem:s0+$0x80] =	vst v3;
	v2 =	vld.idx.msk [tilespmem:v7+s19+$0x0], $0xffff  }
0x218: {  	v3 =	vld.idx.msk [tilespmem:v8+s19+$0x0], $0xffff;
	v7 =	vor.u32 $0x180, v6  }
0x219: {  	v8 =	vor.u32 $0x180, v1;
	[tilespmem:s10+$0x80] =	vst v9  }
0x21a: {  	v9 =	vld.idx.msk [tilespmem:v10+s19+$0x0], $0xffff;
	[tilespmem:s24+$0x80] =	vst v11  }
0x21b: {  	s3 =	simm.s32 $0x40;
	v10 =	vor.u32 $0x180, v5;
	v11 =	vld.idx.msk [tilespmem:v12+s19+$0x0], $0xffff  }
0x21c: {  	s25 =	sand.u32 $0x40, s3;
	v12 =	vld [tilespmem:s3+$0x0];
	[tilespmem:s8+$0x100] =	vst v2  }
0x21d: {  	s26 =	sand.u32 $0x780, s3;
	s9 =	sor.u32 $0x30, s25;
	[tilespmem:s0+$0x100] =	vst v3;
	v2 =	vld.idx.msk [tilespmem:v7+s19+$0x0], $0xffff  }
0x21e: {  	s29 =	sor.u32 s9, s26;
	v3 =	vor.u32 $0x180, v4;
	v7 =	vld.idx.msk [tilespmem:v8+s19+$0x0], $0xffff  }
0x21f: {  	s30 =	sor.u32 $0x10, s25;
	v8 =	vor.u32 $0x200, v6;
	[tilespmem:s10+$0x100] =	vst v9;
	v9 =	vld [tilespmem:s29+$0x0]  }
0x220: {  	s31 =	sor.u32 $0x20, s25;
	s11 =	sor.u32 s30, s26;
	v10 =	vld.idx.msk [tilespmem:v10+s19+$0x0], $0xffff  }
0x221: {  	s6 =	sor.u32 s31, s26;
	v14 =	vld [tilespmem:s11+$0x0];
	v13 =	vor.u32 $0x200, v5;
	v15 =	vshll.u32 v12, $0x3  }
0x222: {  	v16 =	vld [tilespmem:s6+$0x0];
	[tilespmem:s24+$0x100] =	vst v11;
	v11 =	vor.u32 $0x200, v1;
	v12 =	vand.u32 $0x7F, v12;
	v15 =	vand.u32 $0xFFFFFC00, v15  }
0x223: {  	p0 =	por $0x0, $0x0;
	s6 =	simm.s32 $0x1;
	v17 =	vld.idx.msk [tilespmem:v3+s19+$0x0], $0xffff;
	[tilespmem:s8+$0x180] =	vst v2;
	v2 =	vor.u32 v12, v15  }
0x224: {  	s6 =	simm.s32 @!p0 $0x0;
	v12 =	vor.u32 $0x200, v4;
	v8 =	vld.idx.msk [tilespmem:v8+s19+$0x0], $0xffff;
	v3 =	vshll.u32 v9, $0x3  }
0x225: {  	s6 =	sshll.u32 s6, $0x6;
	v9 =	vand.u32 $0x7F, v9;
	[tilespmem:s10+$0x180] =	vst v10;
	v3 =	vand.u32 $0xFFFFFC00, v3;
	v10 =	vor.u32 $0x280, v6  }
0x226: {  	s6 =	sadd.s32 $0x0, s6;
	v15 =	vor.u32 $0x280, v5;
	[tilespmem:s0+$0x180] =	vst v7;
	v7 =	vld.idx.msk [tilespmem:v13+s19+$0x0], $0xffff;
	v13 =	vshll.u32 v14, $0x3;
	v3 =	vor.u32 v9, v3  }
0x227: {  	s11 =	sadd.s32 $0x30, s6;
	v9 =	vld.idx.msk [tilespmem:v11+s19+$0x0], $0xffff;
	v11 =	vshll.u32 v16, $0x3;
	v14 =	vand.u32 $0x7F, v14;
	v13 =	vand.u32 $0xFFFFFC00, v13  }
0x228: {  	s13 =	sor.u32 $0x200, s11;
	v11 =	vand.u32 $0xFFFFFC00, v11;
	[tilespmem:s24+$0x180] =	vst v17;
	v18 =	vld.idx.msk [tilespmem:v2+s19+$0x0], $0xffff;
	v22 =	vor.u32 v14, v13;
	v13 =	vand.u32 $0x7F, v16  }
0x229: {  	s14 =	sadd.s32 $0x10, s6;
	v12 =	vld.idx.msk [tilespmem:v12+s19+$0x0], $0xffff;
	v11 =	vor.u32 v13, v11;
	[tilespmem:s13+$0xCA00] =	vst v8  }
0x22a: {  	s15 =	sor.u32 $0x200, s14;
	v8 =	vor.u32 $0x280, v1;
	v10 =	vld.idx.msk [tilespmem:v10+s19+$0x0], $0xffff  }
0x22b: {  	s22 =	sor.u32 $0x200, s6;
	s8 =	simm.s32 $0x200;
	v13 =	vor.u32 $0x280, v4;
	v14 =	vld.idx.msk [tilespmem:v3+s19+$0x0], $0xffff;
	[tilespmem:s15+$0xCA00] =	vst v7  }
0x22c: {  	s16 =	sadd.s32 $0x20, s6;
	s23 =	sand.u32 $0x3C00, s8;
	[tilespmem:s22+$0xCA00] =	vst v9;
	v9 =	vor.u32 $0x80, v2;
	v7 =	vld.idx.msk [tilespmem:v15+s19+$0x0], $0xffff  }
0x22d: {  	s12 =	sor.u32 $0x200, s16;
	s10 =	sadd.s32 $0xCA00, s23;
	v15 =	vor.u32 $0x300, v6;
	v16 =	vld.idx.msk [tilespmem:v22+s19+$0x0], $0xffff  }
0x22e: {  	s18 =	sor.u32 s25, s10;
	v17 =	vor.u32 $0x80, v3;
	[tilespmem:s12+$0xCA00] =	vst v12;
	v19 =	vld.idx.msk [tilespmem:v11+s19+$0x0], $0xffff  }
0x22f: {  	s24 =	sor.u32 $0x280, s11;
	v20 =	vor.u32 $0x80, v22;
	[tilespmem:s18+$0x0] =	vst v18;
	v23 =	vld.idx.msk [tilespmem:v8+s19+$0x0], $0xffff  }
0x230: {  	s15 =	sor.u32 s9, s10;
	v8 =	vor.u32 $0x80, v11;
	v12 =	vld.idx.msk [tilespmem:v13+s19+$0x0], $0xffff;
	[tilespmem:s24+$0xCA00] =	vst v10  }
0x231: {  	s25 =	sor.u32 $0x280, s14;
	v10 =	vor.u32 $0x300, v5;
	[tilespmem:s15+$0x0] =	vst v14;
	v9 =	vld.idx.msk [tilespmem:v9+s19+$0x0], $0xffff  }
0x232: {  	s24 =	sor.u32 s30, s10;
	v14 =	vor.u32 $0x300, v4;
	v13 =	vld.idx.msk [tilespmem:v15+s19+$0x0], $0xffff;
	[tilespmem:s25+$0xCA00] =	vst v7  }
0x233: {  	s1 =	sor.u32 s31, s10;
	v6 =	vor.u32 $0x380, v6;
	v17 =	vld.idx.msk [tilespmem:v17+s19+$0x0], $0xffff;
	[tilespmem:s24+$0x0] =	vst v16  }
0x234: {  	s26 =	sor.u32 $0x280, s16;
	v18 =	vor.u32 $0x100, v3;
	v16 =	vld.idx.msk [tilespmem:v20+s19+$0x0], $0xffff;
	[tilespmem:s1+$0x0] =	vst v19  }
0x235: {  	s30 =	sor.u32 $0x280, s6;
	v19 =	vor.u32 $0x100, v2;
	[tilespmem:s26+$0xCA00] =	vst v12;
	v8 =	vld.idx.msk [tilespmem:v8+s19+$0x0], $0xffff  }
0x236: {  	s29 =	sor.u32 $0x300, s11;
	v7 =	vor.u32 $0x100, v22;
	[tilespmem:s30+$0xCA00] =	vst v23;
	v24 =	vld.idx.msk [tilespmem:v10+s19+$0x0], $0xffff  }
0x237: {  	v21 =	vor.u32 $0x100, v11;
	v15 =	vld.idx.msk [tilespmem:v14+s19+$0x0], $0xffff;
	[tilespmem:s29+$0xCA00] =	vst v13  }
0x238: {  	[tilespmem:s15+$0x80] =	vst v17;
	v17 =	vor.u32 $0x300, v1;
	v25 =	vld.idx.msk [tilespmem:v6+s19+$0x0], $0xffff  }
0x239: {  	v26 =	vor.u32 $0x380, v5;
	[tilespmem:s18+$0x80] =	vst v9;
	v20 =	vld.idx.msk [tilespmem:v18+s19+$0x0], $0xffff  }
0x23a: {  	v5 =	vor.u32 $0x380, v22;
	v18 =	vld.idx.msk [tilespmem:v19+s19+$0x0], $0xffff;
	[tilespmem:s24+$0x80] =	vst v16  }
0x23b: {  	v12 =	vor.u32 $0x200, v22;
	v23 =	vor.u32 $0x180, v3;
	v14 =	vor.u32 $0x180, v22;
	v19 =	vld.idx.msk [tilespmem:v7+s19+$0x0], $0xffff;
	[tilespmem:s1+$0x80] =	vst v8  }
0x23c: {  	s2 =	sor.u32 $0x300, s6;
	s17 =	sor.u32 $0x380, s14;
	s31 =	sor.u32 $0x300, s14;
	v9 =	vor.u32 $0x280, v22;
	v7 =	vor.u32 $0x300, v22;
	v22 =	vor.u32 $0x180, v2;
	v21 =	vld.idx.msk [tilespmem:v21+s19+$0x0], $0xffff  }
0x23d: {  	s7 =	sor.u32 $0x380, s16;
	s0 =	sor.u32 $0x380, s11;
	s22 =	sor.u32 $0x300, s16;
	v4 =	vor.u32 $0x380, v4;
	v10 =	vor.u32 $0x200, v11;
	v13 =	vor.u32 $0x180, v11;
	[tilespmem:s31+$0xCA00] =	vst v24;
	v16 =	vld.idx.msk [tilespmem:v17+s19+$0x0], $0xffff  }
0x23e: {  	s9 =	sor.u32 $0x380, s6;
	s16 =	simm.s32 $0x80;
	s10 =	simm.s32 $0x4;
	v6 =	vor.u32 $0x300, v11;
	v8 =	vor.u32 $0x280, v11;
	v11 =	vor.u32 $0x380, v11;
	v17 =	vld.idx.msk [tilespmem:v26+s19+$0x0], $0xffff;
	[tilespmem:s0+$0xCA00] =	vst v25  }
.LBB2_11:
0x23f: {  	v24 =	vld [tilespmem:s16+$0x0];
	[tilespmem:s15+$0x100] =	vst v20;
	s3 =	sadd.s32 $0x40, s3  }
0x240: {  	s10 =	sadd.s32 $0x4, s10;
	s6 =	sand.u32 $0x40, s3;
	[tilespmem:s18+$0x100] =	vst v18;
	v18 =	vld.idx.msk [tilespmem:v23+s19+$0x0], $0xffff  }
0x241: {  	s0 =	sand.u32 $0x780, s3;
	p1 =	slt.u32 s10, $0x7C;
	s11 =	sor.u32 $0x30, s6;
	v20 =	vld.idx.msk [tilespmem:v22+s19+$0x0], $0xffff;
	[tilespmem:s24+$0x100] =	vst v19  }
0x242: {  	s13 =	sor.u32 $0x10, s6;
	s12 =	sor.u32 $0x20, s6;
	v19 =	vor.u32 $0x200, v3;
	s4 =	sor.u32 s11, s0;
	v14 =	vld.idx.msk [tilespmem:v14+s19+$0x0], $0xffff;
	[tilespmem:s1+$0x100] =	vst v21  }
0x243: {  	v22 =	vor.u32 $0x200, v2;
	s14 =	sor.u32 s13, s0;
	s0 =	sor.u32 s12, s0;
	v21 =	vld [tilespmem:s4+$0x0];
	[tilespmem:s22+$0xCA00] =	vst v15  }
0x244: {  	v15 =	vld [tilespmem:s14+$0x0];
	[tilespmem:s2+$0xCA00] =	vst v16  }
0x245: {  	v16 =	vshll.u32 v24, $0x3;
	v23 =	vld [tilespmem:s0+$0x0];
	[tilespmem:s17+$0xCA00] =	vst v17  }
0x246: {  	v17 =	vand.u32 $0x7F, v24;
	v16 =	vand.u32 $0xFFFFFC00, v16;
	v13 =	vld.idx.msk [tilespmem:v13+s19+$0x0], $0xffff;
	[tilespmem:s15+$0x180] =	vst v18;
	v18 =	vor.u32 $0x380, v1;
	v1 =	vmovc v2  }
0x247: {  	p0 =	por !p0, !p0;
	s0 =	simm.s32 $0x1;
	v2 =	vor.u32 v17, v16;
	[tilespmem:s18+$0x180] =	vst v20;
	v16 =	vld.idx.msk [tilespmem:v19+s19+$0x0], $0xffff  }
0x248: {  	s0 =	simm.s32 @!p0 $0x0;
	v17 =	vshll.u32 v21, $0x3;
	v19 =	vld.idx.msk [tilespmem:v22+s19+$0x0], $0xffff;
	[tilespmem:s24+$0x180] =	vst v14  }
0x249: {  	s0 =	sshll.u32 s0, $0x6;
	v14 =	vand.u32 $0x7F, v21;
	v17 =	vand.u32 $0xFFFFFC00, v17;
	v20 =	vld.idx.msk [tilespmem:v12+s19+$0x0], $0xffff;
	v12 =	vor.u32 $0x280, v3  }
0x24a: {  	s15 =	sadd.s32 s0, s8;
	v21 =	vshll.u32 v15, $0x3;
	v22 =	vshll.u32 v23, $0x3;
	v17 =	vor.u32 v14, v17;
	v24 =	vld.idx.msk [tilespmem:v4+s19+$0x0], $0xffff;
	v4 =	vmovc v11  }
0x24b: {  	s17 =	sadd.s32 $0x10, s15;
	s18 =	sadd.s32 $0x20, s15;
	s14 =	sadd.s32 $0x30, s15;
	v11 =	vand.u32 $0x7F, v15;
	v14 =	vand.u32 $0xFFFFFC00, v21;
	v15 =	vand.u32 $0xFFFFFC00, v22;
	v18 =	vld.idx.msk [tilespmem:v18+s19+$0x0], $0xffff  }
0x24c: {  	s23 =	sor.u32 $0x200, s17;
	s0 =	sor.u32 $0x200, s14;
	v11 =	vor.u32 v11, v14;
	v14 =	vand.u32 $0x7F, v23;
	v22 =	vor.u32 $0x280, v1;
	v21 =	vld.idx.msk [tilespmem:v2+s19+$0x0], $0xffff;
	[tilespmem:s1+$0x180] =	vst v13;
	s1 =	sor.u32 $0x200, s18  }
0x24d: {  	s2 =	sor.u32 $0x200, s15;
	s26 =	sor.u32 $0x280, s17;
	s25 =	sor.u32 $0x280, s18;
	v23 =	vor.u32 $0x80, v11;
	v25 =	vor.u32 $0x100, v11;
	v15 =	vor.u32 v14, v15;
	v26 =	vld.idx.msk [tilespmem:v10+s19+$0x0], $0xffff;
	[tilespmem:s0+$0xCA00] =	vst v16  }
0x24e: {  	s4 =	sor.u32 $0x280, s15;
	s22 =	sor.u32 $0x300, s18;
	v14 =	vor.u32 $0x180, v11;
	v16 =	vor.u32 $0x80, v15;
	v27 =	vor.u32 $0x100, v15;
	s0 =	sor.u32 $0x300, s17;
	[tilespmem:s2+$0xCA00] =	vst v19;
	v19 =	vld.idx.msk [tilespmem:v12+s19+$0x0], $0xffff  }
0x24f: {  	s18 =	sor.u32 $0x380, s18;
	v13 =	vor.u32 $0x180, v15;
	v10 =	vor.u32 $0x200, v15;
	s17 =	sor.u32 $0x380, s17;
	v12 =	vor.u32 $0x200, v11;
	s2 =	sor.u32 $0x300, s15;
	v28 =	vld.idx.msk [tilespmem:v17+s19+$0x0], $0xffff;
	[tilespmem:s23+$0xCA00] =	vst v20  }
0x250: {  	v30 =	vor.u32 $0x300, v3;
	s15 =	sor.u32 $0x380, s15;
	v20 =	vor.u32 $0x280, v15;
	v29 =	vld.idx.msk [tilespmem:v9+s19+$0x0], $0xffff;
	v9 =	vor.u32 $0x280, v11;
	[tilespmem:s7+$0xCA00] =	vst v24;
	s7 =	smov.u32 s18  }
0x251: {  	s8 =	sadd.s32 $0x200, s8;
	v33 =	vor.u32 $0x80, v17;
	v31 =	vor.u32 $0x300, v11;
	v32 =	vor.u32 $0x300, v15;
	v24 =	vld.idx.msk [tilespmem:v11+s19+$0x0], $0xffff;
	[tilespmem:s9+$0xCA00] =	vst v18;
	s9 =	smov.u32 s15  }
0x252: {  	v34 =	vor.u32 $0x380, v11;
	s15 =	sand.u32 $0x3C00, s8;
	v18 =	vor.u32 $0x80, v2;
	v11 =	vor.u32 $0x380, v15;
	v35 =	vld.idx.msk [tilespmem:v15+s19+$0x0], $0xffff  }
0x253: {  	s23 =	sadd.s32 $0xCA00, s15;
	v36 =	vld.idx.msk [tilespmem:v22+s19+$0x0], $0xffff;
	[tilespmem:s1+$0xCA00] =	vst v26;
	s1 =	sor.u32 $0x280, s14  }
0x254: {  	s18 =	sor.u32 s6, s23;
	s24 =	sor.u32 s13, s23;
	s15 =	sor.u32 s11, s23;
	v15 =	vld.idx.msk [tilespmem:v8+s19+$0x0], $0xffff;
	[tilespmem:s1+$0xCA00] =	vst v19;
	v8 =	vmov v20  }
0x255: {  	s1 =	sor.u32 s12, s23;
	[tilespmem:s15+$0x0] =	vst v28;
	v19 =	vld.idx.msk [tilespmem:v30+s19+$0x0], $0xffff  }
0x256: {  	[tilespmem:s18+$0x0] =	vst v21;
	v20 =	vld.idx.msk [tilespmem:v33+s19+$0x0], $0xffff  }
0x257: {  	v21 =	vor.u32 $0x380, v3;
	v3 =	vmov v17;
	v18 =	vld.idx.msk [tilespmem:v18+s19+$0x0], $0xffff;
	[tilespmem:s24+$0x0] =	vst v24  }
0x258: {  	v22 =	vor.u32 $0x100, v3;
	v17 =	vld.idx.msk [tilespmem:v23+s19+$0x0], $0xffff;
	[tilespmem:s1+$0x0] =	vst v35  }
0x259: {  	v23 =	vor.u32 $0x100, v2;
	v16 =	vld.idx.msk [tilespmem:v16+s19+$0x0], $0xffff;
	[tilespmem:s26+$0xCA00] =	vst v29  }
0x25a: {  	s6 =	sor.u32 $0x300, s14;
	v24 =	vld.idx.msk [tilespmem:v7+s19+$0x0], $0xffff;
	[tilespmem:s25+$0xCA00] =	vst v15;
	v7 =	vmov v31  }
0x25b: {  	v15 =	vld.idx.msk [tilespmem:v6+s19+$0x0], $0xffff;
	[tilespmem:s6+$0xCA00] =	vst v19;
	v6 =	vmov v32  }
0x25c: {  	v26 =	vor.u32 $0x300, v1;
	[tilespmem:s15+$0x80] =	vst v20;
	v28 =	vld.idx.msk [tilespmem:v21+s19+$0x0], $0xffff  }
0x25d: {  	[tilespmem:s18+$0x80] =	vst v18;
	v20 =	vld.idx.msk [tilespmem:v22+s19+$0x0], $0xffff  }
.Ltmp5:
0x25e: {  	v18 =	vld.idx.msk [tilespmem:v23+s19+$0x0], $0xffff;
	[tilespmem:s24+$0x80] =	vst v17;
	(pc) =	sbr.rel @p1 .LBB2_11-.Ltmp5, $4  }
0x25f: {  	v23 =	vor.u32 $0x180, v3;
	v19 =	vld.idx.msk [tilespmem:v25+s19+$0x0], $0xffff;
	[tilespmem:s1+$0x80] =	vst v16  }
0x260: {  	v22 =	vor.u32 $0x180, v2;
	v21 =	vld.idx.msk [tilespmem:v27+s19+$0x0], $0xffff;
	[tilespmem:s4+$0xCA00] =	vst v36  }
0x261: {  	v16 =	vld.idx.msk [tilespmem:v26+s19+$0x0], $0xffff;
	[tilespmem:s0+$0xCA00] =	vst v24;
	s0 =	sor.u32 $0x380, s14  }
0x262: {  	s16 =	sadd.s32 $0x40, s16;
	v17 =	vld.idx.msk [tilespmem:v5+s19+$0x0], $0xffff;
	[tilespmem:s0+$0xCA00] =	vst v28;
	v5 =	vmov v34  }
0x263: {  	_ =	sdelay $0x2  }
0x264: {  	[tilespmem:s15+$0x100] =	vst v20  }
0x265: {  	[tilespmem:s18+$0x100] =	vst v18;
	v20 =	vld.idx.msk [tilespmem:v23+s19+$0x0], $0xffff  }
0x266: {  	v55 =	vor.u32 $0x200, v3;
	[tilespmem:s24+$0x100] =	vst v19;
	v18 =	vld.idx.msk [tilespmem:v22+s19+$0x0], $0xffff  }
0x267: {  	v56 =	vor.u32 $0x200, v2;
	v14 =	vld.idx.msk [tilespmem:v14+s19+$0x0], $0xffff;
	[tilespmem:s1+$0x100] =	vst v21  }
0x268: {  	v13 =	vld.idx.msk [tilespmem:v13+s19+$0x0], $0xffff;
	_ =	sdelay $0x1  }
0x269: {  	p0 =	por !p0, !p0;
	s0 =	simm.s32 $0x1;
	[tilespmem:s15+$0x180] =	vst v20  }
0x26a: {  	s0 =	simm.s32 @!p0 $0x0;
	[tilespmem:s18+$0x180] =	vst v18;
	v19 =	vld.idx.msk [tilespmem:v55+s19+$0x0], $0xffff  }
0x26b: {  	v57 =	vor.u32 $0x280, v3;
	s0 =	sshll.u32 s0, $0x6;
	[tilespmem:s24+$0x180] =	vst v14;
	v58 =	vld.idx.msk [tilespmem:v56+s19+$0x0], $0xffff  }
0x26c: {  	v59 =	vor.u32 $0x280, v2;
	s0 =	sadd.s32 s0, s8;
	v12 =	vld.idx.msk [tilespmem:v12+s19+$0x0], $0xffff;
	[tilespmem:s1+$0x180] =	vst v13  }
0x26d: {  	s30 =	sadd.s32 $0x30, s0;
	v10 =	vld.idx.msk [tilespmem:v10+s19+$0x0], $0xffff  }
0x26e: {  	s4 =	sor.u32 $0x200, s30  }
0x26f: {  	s3 =	sadd.s32 $0x10, s0;
	s11 =	sor.u32 $0x200, s0;
	[tilespmem:s4+$0xCA00] =	vst v19  }
0x270: {  	s6 =	sadd.s32 $0x20, s0;
	s31 =	sor.u32 $0x200, s3;
	[tilespmem:s11+$0xCA00] =	vst v58;
	v14 =	vld.idx.msk [tilespmem:v57+s19+$0x0], $0xffff  }
0x271: {  	v60 =	vor.u32 $0x300, v3;
	s10 =	sor.u32 $0x200, s6;
	[tilespmem:s31+$0xCA00] =	vst v12;
	v61 =	vld.idx.msk [tilespmem:v59+s19+$0x0], $0xffff  }
0x272: {  	v62 =	vor.u32 $0x300, v2;
	v9 =	vld.idx.msk [tilespmem:v9+s19+$0x0], $0xffff;
	[tilespmem:s10+$0xCA00] =	vst v10  }
0x273: {  	v8 =	vld.idx.msk [tilespmem:v8+s19+$0x0], $0xffff  }
0x274: {  	[tilespmem:s22+$0xCA00] =	vst v15;
	s12 =	sor.u32 $0x280, s30  }
0x275: {  	s15 =	sor.u32 $0x280, s0;
	[tilespmem:s12+$0xCA00] =	vst v14  }
0x276: {  	v1 =	vor.u32 $0x380, v1;
	s13 =	sor.u32 $0x280, s3;
	[tilespmem:s15+$0xCA00] =	vst v61;
	v12 =	vld.idx.msk [tilespmem:v60+s19+$0x0], $0xffff  }
0x277: {  	v3 =	vor.u32 $0x380, v3;
	s14 =	sor.u32 $0x280, s6;
	[tilespmem:s13+$0xCA00] =	vst v9;
	v63 =	vld.idx.msk [tilespmem:v62+s19+$0x0], $0xffff  }
0x278: {  	v2 =	vor.u32 $0x380, v2;
	v7 =	vld.idx.msk [tilespmem:v7+s19+$0x0], $0xffff;
	[tilespmem:s14+$0xCA00] =	vst v8  }
0x279: {  	[tilespmem:s2+$0xCA00] =	vst v16;
	v6 =	vld.idx.msk [tilespmem:v6+s19+$0x0], $0xffff  }
0x27a: {  	v4 =	vld.idx.msk [tilespmem:v4+s19+$0x0], $0xffff;
	[tilespmem:s17+$0xCA00] =	vst v17;
	s16 =	sor.u32 $0x300, s30  }
0x27b: {  	s22 =	sor.u32 $0x300, s0;
	v1 =	vld.idx.msk [tilespmem:v1+s19+$0x0], $0xffff;
	[tilespmem:s16+$0xCA00] =	vst v12  }
0x27c: {  	s17 =	sor.u32 $0x300, s3;
	[tilespmem:s22+$0xCA00] =	vst v63;
	v3 =	vld.idx.msk [tilespmem:v3+s19+$0x0], $0xffff  }
0x27d: {  	s18 =	sor.u32 $0x300, s6;
	[tilespmem:s17+$0xCA00] =	vst v7;
	v2 =	vld.idx.msk [tilespmem:v2+s19+$0x0], $0xffff  }
0x27e: {  	v5 =	vld.idx.msk [tilespmem:v5+s19+$0x0], $0xffff;
	[tilespmem:s18+$0xCA00] =	vst v6  }
0x27f: {  	[tilespmem:s7+$0xCA00] =	vst v4;
	v6 =	vld.idx.msk [tilespmem:v11+s19+$0x0], $0xffff  }
0x280: {  	s1 =	sor.u32 $0x380, s30;
	[tilespmem:s9+$0xCA00] =	vst v1  }
0x281: {  	s0 =	sor.u32 $0x380, s0;
	[tilespmem:s1+$0xCA00] =	vst v3  }
0x282: {  	s23 =	sor.u32 $0x380, s3;
	[tilespmem:s0+$0xCA00] =	vst v2  }
0x283: {  	s24 =	sor.u32 $0x380, s6;
	[tilespmem:s23+$0xCA00] =	vst v5  }
0x284: {  	[tilespmem:s24+$0xCA00] =	vst v6  }
0x285: {  	s25 =	simm.s32 $0xCA00;
	s26 =	simm.s32 $0x5;
	s0 =	rddreg [dreg:$0xf]  }
0x286: {  	[hbm4b:s0+s5] =	stream.linear.scatter [tilespmem:s25], [sflag:$0x4], $0x4000, $0x38;
	[tilespmem:$0x18A00] =	vst v63  }
0x287: {  	_ =	swait.ge [sflag:s26], $0x4000  }
0x288: {  	[sflag:s26] =	ssyncset.done $0x0  }
0x289: {  	s29 =	simm.s32 $0x6;
	[sflag:s26] =	ssyncadd.s32 $0xFFFFC000  }
0x28a: {  	_ =	swait.ge [sflag:s29], $0x4000  }
0x28b: {  	[sflag:s29] =	ssyncset.done $0x0  }
0x28c: {  	[sflag:s29] =	ssyncadd.s32 $0xFFFFC000  }
0x28d: {  	_ =	swait.ge [sflag:s28], $0x4000  }
0x28e: {  	s30 =	rddreg [dreg:$0x11]  }
0x28f: {  	s31 =	rddreg [dreg:$0x10];
	s1 =	sadd.s32 $0x1, s30  }
0x290: {  	p0 =	sne.s32 s1, s31  }
.Ltmp6:
0x291: {  	_ = 	snop;
	(pc) =	sbr.rel @p0 .LBB2_1-.Ltmp6, $3  }
0x292: {  	_ =	sdelay $0x1  }
0x293: {  	[sflag:s28] =	ssyncset.done $0x0  }
0x294: {  	[sflag:s28] =	ssyncadd.s32 $0xFFFFC000  }
0x295: {  	_ =	sfence.sel $0x180000  }
0x296: {  	[bflag:$0x0] =	sbarrier.arrive $0xFFFF  }
0x297: {  	_ =	strace $0x90000047  }
0x298: {  	s0 =	stileid.u32;
	[bflag:$0x2] =	sbarrier.arrive $0xFFFF  }
0x299: {  	p0 =	sne.s32 s0, $0x0;
	s0 =	rddreg [dreg:$0x4]  }
0x29a: {  	s0 =	sadd.s32 @!p0 $0x100000, s0  }
0x29b: {  	[sflag:s0] =	ssyncadd.tile.s32 @!p0 $0x1;
	_ =	shalt  }
.Lfunc_end2:
_tile_overlayer_lowered:
.L_overlay_start_2:
0x29c: {  	(tag) =	ssettag $0x2  }
0x29d: {  	s0 =	rddreg [dreg:$0x0];
	s2 =	stileid.u32  }
0x29e: {  	s1 =	rddreg [dreg:$0x1];
	p0 =	sne.s32 s2, $0x0  }
0x29f: {  	s3 =	rddreg [dreg:$0x2];
	[bflag:$0x3] =	sbarrier.arrive $0xFFFF;
	s2 =	simm.s32 @!p0 $0x1C07  }
0x2a0: {  	[timem:s3], [sflag:s2] =	dma.local @!p0 [hbm:s0], s1  }
0x2a1: {  	s0 =	simm.s32 @!p0 $0x7  }
0x2a2: {  	_ =	swait.ge @!p0 [sflag:s0], s1  }
0x2a3: {  	s1 =	ssub.s32 @!p0 $0x0, s1;
	[sflag:s0] =	ssyncset.done @!p0 $0x0  }
0x2a4: {  	[sflag:s0] =	ssyncadd.s32 @!p0 s1  }
0x2a5: {  	[bflag:$0x3] =	sbarrier.arrive $0xFFFF  }
0x2a6: {  	_ =	shalt  }

</sc_bundles>
